<compile_context>
chip_gen: v7x
topology: tpu7x:2x2x1
jax: 0.10.2.dev20260603
libtpu: 0.0.44.dev20260713+nightly
codegen_flags: <defaults>
</compile_context>

<pallas_src>
import functools

import jax
import jax.numpy as jnp
from jax import lax
from jax.experimental import pallas as pl
from jax.experimental.pallas import tpu as pltpu
from jax.experimental.pallas import tpu_sc as plsc

NSUB = 16
NCORE = 2
NTILE = NSUB * NCORE
CH = 125


def _sc_mesh():
    return plsc.VectorSubcoreMesh(core_axis_name="c", subcore_axis_name="s")


def _sc_hist(dstp, zerosf):
    nt, ept = dstp.shape
    rows = 80
    d = 128

    @functools.partial(
        pl.kernel,
        out_type=jax.ShapeDtypeStruct((NTILE, rows * d), jnp.float32),
        mesh=_sc_mesh(),
        scratch_types=[
            pltpu.VMEM((ept,), jnp.int32),
            pltpu.VMEM((rows * d,), jnp.float32),
        ],
        compiler_params=pltpu.CompilerParams(needs_layout_passes=False),
    )
    def k(dst_h, z_h, out_h, didx, acc):
        cid = lax.axis_index("c")
        sid = lax.axis_index("s")
        tile = cid * NSUB + sid
        pltpu.sync_copy(z_h.at[tile], acc)
        pltpu.sync_copy(dst_h.at[tile], didx)

        def body(j, carry):
            idx = didx[pl.ds(j * 16, 16)]
            cnt, last = plsc.scan_count(idx)
            plsc.addupdate_scatter(
                acc, [idx], cnt.astype(jnp.float32), mask=last)
            return carry

        lax.fori_loop(0, ept // 16, body, 0)
        pltpu.sync_copy(acc, out_h.at[tile])

    return k(dstp, jnp.zeros((NTILE, rows * d), jnp.float32))


def _tc0(histp, ntile, rows):
    def body(h_ref, o_ref):
        h = h_ref[...].reshape(ntile, rows, h_ref.shape[-1])
        o_ref[...] = jnp.sum(h, axis=0)

    return pl.pallas_call(
        body,
        out_shape=jax.ShapeDtypeStruct((rows, histp.shape[-1]), jnp.float32),
    )(histp)


def _sc_scatter(g, src2d, dst2d, zerosf):
    d = g.shape[1]
    n = zerosf.shape[0]
    r, ch = src2d.shape
    rpt = r // NTILE
    rz = n // NSUB
    br = 40
    nblk = rpt // br

    @functools.partial(
        pl.kernel,
        out_type=jax.ShapeDtypeStruct((NCORE * n, d), jnp.float32),
        mesh=_sc_mesh(),
        scratch_types=[
            pltpu.VMEM((br, ch), jnp.int32),
            pltpu.VMEM((br, ch), jnp.int32),
            pltpu.VMEM((ch, d), jnp.float32),
            pltpu.VMEM((ch, d), jnp.float32),
            pltpu.VMEM_SHARED((n, d), jnp.float32),
            pltpu.SemaphoreType.DMA,
            pltpu.SemaphoreType.DMA,
        ],
    )
    def k(g_h, s_h, d_h, z_h, out_h, sidx, didx, rows0, rows1, acc,
          sem0, sem1):
        cid = lax.axis_index("c")
        sid = lax.axis_index("s")
        tile = cid * NSUB + sid
        pltpu.sync_copy(z_h.at[pl.ds(sid * rz, rz)], acc.at[pl.ds(sid * rz, rz)])
        plsc.subcore_barrier()

        def blk(bi, carry):
            base = tile * rpt + bi * br
            pltpu.sync_copy(s_h.at[pl.ds(base, br)], sidx)
            pltpu.sync_copy(d_h.at[pl.ds(base, br)], didx)

            pltpu.async_copy(g_h.at[sidx.at[0]], rows0, sem0)
            pltpu.async_copy(g_h.at[sidx.at[1]], rows1, sem1)

            def body(p, c):
                j0 = 2 * p
                j1 = j0 + 1
                pltpu.make_async_copy(g_h.at[sidx.at[j0]], rows0, sem0).wait()
                pltpu.sync_copy(rows0, acc.at[didx.at[j0]], add=True)

                @pl.when(j0 + 2 < br)
                def _():
                    pltpu.async_copy(g_h.at[sidx.at[j0 + 2]], rows0, sem0)

                pltpu.make_async_copy(g_h.at[sidx.at[j1]], rows1, sem1).wait()
                pltpu.sync_copy(rows1, acc.at[didx.at[j1]], add=True)

                @pl.when(j1 + 2 < br)
                def _():
                    pltpu.async_copy(g_h.at[sidx.at[j1 + 2]], rows1, sem1)

                return c

            lax.fori_loop(0, br // 2, body, 0)
            return carry

        lax.fori_loop(0, nblk, blk, 0)
        plsc.subcore_barrier()
        pltpu.sync_copy(acc.at[pl.ds(sid * rz, rz)],
                        out_h.at[pl.ds(cid * n + sid * rz, rz)])

    return k(g, src2d, dst2d, zerosf)


def _tc1(x, w0, degp, nb=5):
    n, din = x.shape
    dh = w0.shape[1]
    br = n // nb

    def body(x_ref, w_ref, deg_ref, g0_ref, sl0_ref, sc2_ref):
        deg = 1.0 + deg_ref[...]
        dis = lax.rsqrt(deg)
        dis2 = 1.0 / deg
        h = jnp.dot(x_ref[...], w_ref[...], preferred_element_type=jnp.float32)
        g0_ref[...] = h * dis
        sl0_ref[...] = h * dis2
        sc2_ref[...] = jnp.concatenate([dis, dis2], axis=1)

    return pl.pallas_call(
        body,
        grid=(nb,),
        in_specs=[
            pl.BlockSpec((br, din), lambda i: (i, 0)),
            pl.BlockSpec((din, dh), lambda i: (0, 0)),
            pl.BlockSpec((br, 1), lambda i: (i, 0)),
        ],
        out_specs=[
            pl.BlockSpec((br, dh), lambda i: (i, 0)),
            pl.BlockSpec((br, dh), lambda i: (i, 0)),
            pl.BlockSpec((br, 2), lambda i: (i, 0)),
        ],
        out_shape=[
            jax.ShapeDtypeStruct((n, dh), jnp.float32),
            jax.ShapeDtypeStruct((n, dh), jnp.float32),
            jax.ShapeDtypeStruct((n, 2), jnp.float32),
        ],
    )(x, w0, degp)


def _tc2(p0, p1, sl0, sc2, b0, w1, nb=5):
    n, dh = sl0.shape
    d2 = w1.shape[1]
    br = n // nb

    def body(p0_ref, p1_ref, sl_ref, sc_ref, b_ref, w_ref, g_ref, sl1_ref):
        dis = sc_ref[...][:, 0:1]
        dis2 = sc_ref[...][:, 1:2]
        x1 = jax.nn.relu(dis * (p0_ref[...] + p1_ref[...]) + sl_ref[...]
                         + b_ref[...])
        h = jnp.dot(x1, w_ref[...], preferred_element_type=jnp.float32)
        g_ref[...] = h * dis
        sl1_ref[...] = h * dis2

    return pl.pallas_call(
        body,
        grid=(nb,),
        in_specs=[
            pl.BlockSpec((br, dh), lambda i: (i, 0)),
            pl.BlockSpec((br, dh), lambda i: (i, 0)),
            pl.BlockSpec((br, dh), lambda i: (i, 0)),
            pl.BlockSpec((br, 2), lambda i: (i, 0)),
            pl.BlockSpec((1, dh), lambda i: (0, 0)),
            pl.BlockSpec((dh, d2), lambda i: (0, 0)),
        ],
        out_specs=[
            pl.BlockSpec((br, d2), lambda i: (i, 0)),
            pl.BlockSpec((br, d2), lambda i: (i, 0)),
        ],
        out_shape=[
            jax.ShapeDtypeStruct((n, d2), jnp.float32),
            jax.ShapeDtypeStruct((n, d2), jnp.float32),
        ],
    )(p0, p1, sl0, sc2, b0, w1)


def _tc3(p0, p1, sl1, sc2, b1, wfc, bfc, nb=5):
    n, dh = sl1.shape
    dout = wfc.shape[1]
    br = n // nb

    def body(p0_ref, p1_ref, sl_ref, sc_ref, b_ref, w_ref, bf_ref,
             x2_ref, o2_ref, pr_s, mm_s):
        i = pl.program_id(0)

        @pl.when(i < nb)
        def _():
            dis = sc_ref[...][:, 0:1]
            x2 = jax.nn.relu(dis * (p0_ref[...] + p1_ref[...]) + sl_ref[...]
                             + b_ref[...])
            x2_ref[...] = x2
            z = jnp.dot(x2, w_ref[...], preferred_element_type=jnp.float32)
            praw = jax.nn.sigmoid(z + bf_ref[...])
            pr_s[pl.ds(i * br, br), :] = praw
            blo = jnp.min(praw)
            bhi = jnp.max(praw)

            @pl.when(i == 0)
            def _():
                mm_s[0, 0] = blo
                mm_s[0, 1] = bhi

            @pl.when(i > 0)
            def _():
                mm_s[0, 0] = jnp.minimum(mm_s[0, 0], blo)
                mm_s[0, 1] = jnp.maximum(mm_s[0, 1], bhi)

        @pl.when(i == nb)
        def _():
            lo = mm_s[0, 0]
            hi = mm_s[0, 1]
            o2_ref[...] = (pr_s[...] - lo) / (hi - lo)

    return pl.pallas_call(
        body,
        grid=(nb + 1,),
        in_specs=[
            pl.BlockSpec((br, dh), lambda i: (jnp.minimum(i, nb - 1), 0)),
            pl.BlockSpec((br, dh), lambda i: (jnp.minimum(i, nb - 1), 0)),
            pl.BlockSpec((br, dh), lambda i: (jnp.minimum(i, nb - 1), 0)),
            pl.BlockSpec((br, 2), lambda i: (jnp.minimum(i, nb - 1), 0)),
            pl.BlockSpec((1, dh), lambda i: (0, 0)),
            pl.BlockSpec((dh, dout), lambda i: (0, 0)),
            pl.BlockSpec((1, dout), lambda i: (0, 0)),
        ],
        out_specs=[
            pl.BlockSpec((br, dh), lambda i: (jnp.minimum(i, nb - 1), 0)),
            pl.BlockSpec((n, dout), lambda i: (0, 0)),
        ],
        out_shape=[
            jax.ShapeDtypeStruct((n, dh), jnp.float32),
            jax.ShapeDtypeStruct((n, dout), jnp.float32),
        ],
        scratch_shapes=[
            pltpu.VMEM((n, dout), jnp.float32),
            pltpu.SMEM((1, 2), jnp.float32),
        ],
    )(p0, p1, sl1, sc2, b1, wfc, bfc)


def kernel(x, edge_index, W0, b0, W1, b1, Wfc, bfc):
    n, din = x.shape
    e = edge_index.shape[1]
    ei = edge_index.astype(jnp.int32)
    r = e // CH
    src2d = ei[0].reshape(r, CH)
    dst2d = ei[1].reshape(r, CH)

    npad = ((n + 127) // 128) * 128
    zerosf = jnp.zeros((npad, W0.shape[1]), jnp.float32)

    hrows = 80
    eg = NTILE * 128 * 8
    epad = ((e + eg - 1) // eg) * eg
    dstp = jnp.concatenate(
        [ei[1], jnp.full((epad - e,), npad - 1, jnp.int32)]).reshape(NTILE, -1)

    histp = _sc_hist(dstp, zerosf)
    deg = _tc0(histp.reshape(NTILE * hrows, 128), NTILE, hrows)
    degp = deg.reshape(-1)[:n].reshape(n, 1)
    g0, sl0, sc2 = _tc1(x, W0, degp)
    parts0 = _sc_scatter(g0, src2d, dst2d, zerosf)
    g1, sl1 = _tc2(parts0[:n], parts0[npad:npad + n], sl0, sc2,
                   b0.reshape(1, -1), W1)
    parts1 = _sc_scatter(g1, src2d, dst2d, zerosf)
    x_pre_fc, x_post_fc = _tc3(parts1[:n], parts1[npad:npad + n], sl1, sc2,
                               b1.reshape(1, -1), Wfc, bfc.reshape(1, -1))
    return (x_pre_fc, x_post_fc)

# --- scband reference (transcript-rebuilt; emitter-appended) ---
"""Pipeline reference for scband-gcn-45689862095190 (READ-ONLY COPY).

The authoritative reference and input builder live on the scoring server;
editing this copy changes nothing except your own understanding.
"""

import jax, jax.numpy as jnp
import numpy as np

N = 10000
E = 320000
D_IN = 128
HIDDEN = [128, 128]
D_OUT = 64


def setup_inputs(seed: int = 0) -> dict:
    key = jax.random.key(seed)
    ks = jax.random.split(key, 10)
    x = jax.random.normal(ks[0], (N, D_IN), dtype=jnp.float32)
    edge_index = jax.random.randint(ks[1], (2, E), 0, N, dtype=jnp.int64)
    # GCNConv layer 0: weight [in, out], bias [out] (glorot-ish init)
    W0 = jax.random.normal(ks[2], (D_IN, HIDDEN[0]), dtype=jnp.float32) * (1.0 / np.sqrt(D_IN))
    b0 = jnp.zeros((HIDDEN[0],), dtype=jnp.float32)
    W1 = jax.random.normal(ks[3], (HIDDEN[0], HIDDEN[1]), dtype=jnp.float32) * (1.0 / np.sqrt(HIDDEN[0]))
    b1 = jnp.zeros((HIDDEN[1],), dtype=jnp.float32)
    Wfc = jax.random.normal(ks[4], (HIDDEN[1], D_OUT), dtype=jnp.float32) * (1.0 / np.sqrt(HIDDEN[1]))
    bfc = jnp.zeros((D_OUT,), dtype=jnp.float32)
    return {"x": x, "edge_index": edge_index, "W0": W0, "b0": b0, "W1": W1, "b1": b1, "Wfc": Wfc, "bfc": bfc}


def _gcn_conv(x, edge_index, W, b):
    # PyG GCNConv: add self loops, sym-normalize, h = D^-1/2 (A+I) D^-1/2 X W + b
    src = edge_index[0]
    dst = edge_index[1]
    loop = jnp.arange(N, dtype=src.dtype)
    s = jnp.concatenate([src, loop])
    d = jnp.concatenate([dst, loop])
    h = x @ W
    ones = jnp.ones_like(d, dtype=h.dtype)
    deg = jax.ops.segment_sum(ones, d, num_segments=N)
    deg_inv_sqrt = jnp.where(deg > 0, 1.0 / jnp.sqrt(deg), 0.0)
    norm = deg_inv_sqrt[s] * deg_inv_sqrt[d]
    msgs = h[s] * norm[:, None]
    out = jax.ops.segment_sum(msgs, d, num_segments=N)
    return out + b


def reference(x, edge_index, W0, b0, W1, b1, Wfc, bfc):
    h = _gcn_conv(x, edge_index, W0, b0)
    h = jax.nn.relu(h)
    h = _gcn_conv(h, edge_index, W1, b1)
    h = jax.nn.relu(h)
    x_pre_fc = h
    x_post_fc = jax.nn.sigmoid(x_pre_fc @ Wfc + bfc)
    x_post_fc = (x_post_fc - x_post_fc.min()) / (x_post_fc.max() - x_post_fc.min())
    return (x_pre_fc, x_post_fc)

if __name__ == "__main__":
    import jax
    _d = setup_inputs()
    print(jax.jit(kernel)(*tuple(_d.values())))

</pallas_src>

<mosaic_0001>
#map = affine_map<(d0, d1) -> (0, 0)>
module attributes {stable_mosaic.version = 14 : i64} {
  func.func @k(%arg0: i32, %arg1: i32, %arg2: memref<10000x128xf32, #tpu.memory_space<hbm>>, %arg3: memref<2560x125xi32, #tpu.memory_space<hbm>>, %arg4: memref<2560x125xi32, #tpu.memory_space<hbm>>, %arg5: memref<10112x128xf32, #tpu.memory_space<hbm>>, %arg6: memref<20224x128xf32, #tpu.memory_space<hbm>>, %arg7: memref<40x125xi32, #tpu.memory_space<vmem>>, %arg8: memref<40x125xi32, #tpu.memory_space<vmem>>, %arg9: memref<125x128xf32, #tpu.memory_space<vmem>>, %arg10: memref<125x128xf32, #tpu.memory_space<vmem>>, %arg11: memref<10112x128xf32, #tpu.memory_space<vmem_shared>>, %arg12: memref<!tpu.dma_semaphore, #tpu.memory_space<semaphore_mem>>, %arg13: memref<!tpu.dma_semaphore, #tpu.memory_space<semaphore_mem>>) attributes {dimension_semantics = [#tpu.dimension_semantics<core_parallel>, #tpu.dimension_semantics<subcore_parallel>], iteration_bounds = array<i64: 2, 16>, scalar_prefetch = 0 : i64, scratch_operands = 7 : i64, tpu.core_type = #tpu.core_type<sc_vector_subcore>, window_params = [{transform_indices = #map}, {transform_indices = #map}, {transform_indices = #map}, {transform_indices = #map}, {transform_indices = #map}]} {
    %mul3A = arith.constant 16 : i32
    %mul3A_0 = arith.muli %arg0, %mul3A : i32
    %add3A = arith.addi %mul3A_0, %arg1 : i32
    %mul3A_1 = arith.constant 632 : i32
    %mul3A_2 = arith.muli %arg1, %mul3A_1 : i32
    %mul3A_3 = arith.constant 632 : i32
    %mul3A_4 = arith.muli %arg1, %mul3A_3 : i32
    "tpu.region"() ({
      %run_scoped3A = tpu.sem_alloc : memref<!tpu.dma_semaphore, #tpu.memory_space<semaphore_mem>>
      %dma_start3A = arith.constant 0 : i32
      %dma_start3A_18 = tpu.memref_slice %arg11[%mul3A_4, %dma_start3A] : memref<10112x128xf32, #tpu.memory_space<vmem_shared>> -> memref<632x128xf32, #tpu.memory_space<vmem_shared>>
      %dma_start3A_19 = arith.constant 0 : i32
      %dma_start3A_20 = tpu.memref_slice %arg5[%mul3A_2, %dma_start3A_19] : memref<10112x128xf32, #tpu.memory_space<hbm>> -> memref<632x128xf32, #tpu.memory_space<hbm>>
      tpu.enqueue_dma source(%dma_start3A_20 : memref<632x128xf32, #tpu.memory_space<hbm>>) target(%dma_start3A_18 : memref<632x128xf32, #tpu.memory_space<vmem_shared>>) target_semaphore(%run_scoped3A : memref<!tpu.dma_semaphore, #tpu.memory_space<semaphore_mem>>)
      %dma_wait3A = arith.constant 0 : i32
      %dma_wait3A_21 = tpu.memref_slice %arg11[%mul3A_4, %dma_wait3A] : memref<10112x128xf32, #tpu.memory_space<vmem_shared>> -> memref<632x128xf32, #tpu.memory_space<vmem_shared>>
      %dma_wait3A_22 = arith.constant 0 : i32
      %dma_wait3A_23 = tpu.memref_slice %arg5[%mul3A_2, %dma_wait3A_22] : memref<10112x128xf32, #tpu.memory_space<hbm>> -> memref<632x128xf32, #tpu.memory_space<hbm>>
      tpu.wait_dma2 semaphore(%run_scoped3A : memref<!tpu.dma_semaphore, #tpu.memory_space<semaphore_mem>>) src(%dma_wait3A_23 : memref<632x128xf32, #tpu.memory_space<hbm>>) dst(%dma_wait3A_21 : memref<632x128xf32, #tpu.memory_space<vmem_shared>>)
      tpu.yield
    }) : () -> ()
    %barrier3A = arith.constant 0 : index
    tpu.barrier barrier_id(%barrier3A)
    %scan3A = arith.constant 0 : i32
    %scan3A_5 = arith.constant 0 : i32
    %scan3A_6 = arith.constant 2 : i32
    %scan3A_7 = arith.addi %scan3A_5, %scan3A_6 : i32
    %scan3A_8 = arith.constant 1 : i32
    scf.for %scan3A_18 = %scan3A_5 to %scan3A_7 step %scan3A_8  : i32 {
      %mul3A_19 = arith.constant 80 : i32
      %mul3A_20 = arith.muli %add3A, %mul3A_19 : i32
      %mul3A_21 = arith.constant 40 : i32
      %mul3A_22 = arith.muli %scan3A_18, %mul3A_21 : i32
      %add3A_23 = arith.addi %mul3A_20, %mul3A_22 : i32
      "tpu.region"() ({
        %run_scoped3A = tpu.sem_alloc : memref<!tpu.dma_semaphore, #tpu.memory_space<semaphore_mem>>
        %dma_start3A_43 = arith.constant 0 : i32
        %dma_start3A_44 = tpu.memref_slice %arg3[%add3A_23, %dma_start3A_43] : memref<2560x125xi32, #tpu.memory_space<hbm>> -> memref<40x125xi32, #tpu.memory_space<hbm>>
        %dma_start3A_45 = arith.constant 0 : i32
        %dma_start3A_46 = tpu.memref_slice %arg3[%add3A_23, %dma_start3A_45] : memref<2560x125xi32, #tpu.memory_space<hbm>> -> memref<40x125xi32, #tpu.memory_space<hbm>>
        tpu.enqueue_dma source(%dma_start3A_46 : memref<40x125xi32, #tpu.memory_space<hbm>>) target(%arg7 : memref<40x125xi32, #tpu.memory_space<vmem>>) target_semaphore(%run_scoped3A : memref<!tpu.dma_semaphore, #tpu.memory_space<semaphore_mem>>)
        %dma_wait3A = arith.constant 0 : i32
        %dma_wait3A_47 = tpu.memref_slice %arg3[%add3A_23, %dma_wait3A] : memref<2560x125xi32, #tpu.memory_space<hbm>> -> memref<40x125xi32, #tpu.memory_space<hbm>>
        %dma_wait3A_48 = arith.constant 0 : i32
        %dma_wait3A_49 = tpu.memref_slice %arg3[%add3A_23, %dma_wait3A_48] : memref<2560x125xi32, #tpu.memory_space<hbm>> -> memref<40x125xi32, #tpu.memory_space<hbm>>
        tpu.wait_dma2 semaphore(%run_scoped3A : memref<!tpu.dma_semaphore, #tpu.memory_space<semaphore_mem>>) src(%dma_wait3A_49 : memref<40x125xi32, #tpu.memory_space<hbm>>) dst(%arg7 : memref<40x125xi32, #tpu.memory_space<vmem>>)
        tpu.yield
      }) : () -> ()
      "tpu.region"() ({
        %run_scoped3A = tpu.sem_alloc : memref<!tpu.dma_semaphore, #tpu.memory_space<semaphore_mem>>
        %dma_start3A_43 = arith.constant 0 : i32
        %dma_start3A_44 = tpu.memref_slice %arg4[%add3A_23, %dma_start3A_43] : memref<2560x125xi32, #tpu.memory_space<hbm>> -> memref<40x125xi32, #tpu.memory_space<hbm>>
        %dma_start3A_45 = arith.constant 0 : i32
        %dma_start3A_46 = tpu.memref_slice %arg4[%add3A_23, %dma_start3A_45] : memref<2560x125xi32, #tpu.memory_space<hbm>> -> memref<40x125xi32, #tpu.memory_space<hbm>>
        tpu.enqueue_dma source(%dma_start3A_46 : memref<40x125xi32, #tpu.memory_space<hbm>>) target(%arg8 : memref<40x125xi32, #tpu.memory_space<vmem>>) target_semaphore(%run_scoped3A : memref<!tpu.dma_semaphore, #tpu.memory_space<semaphore_mem>>)
        %dma_wait3A = arith.constant 0 : i32
        %dma_wait3A_47 = tpu.memref_slice %arg4[%add3A_23, %dma_wait3A] : memref<2560x125xi32, #tpu.memory_space<hbm>> -> memref<40x125xi32, #tpu.memory_space<hbm>>
        %dma_wait3A_48 = arith.constant 0 : i32
        %dma_wait3A_49 = tpu.memref_slice %arg4[%add3A_23, %dma_wait3A_48] : memref<2560x125xi32, #tpu.memory_space<hbm>> -> memref<40x125xi32, #tpu.memory_space<hbm>>
        tpu.wait_dma2 semaphore(%run_scoped3A : memref<!tpu.dma_semaphore, #tpu.memory_space<semaphore_mem>>) src(%dma_wait3A_49 : memref<40x125xi32, #tpu.memory_space<hbm>>) dst(%arg8 : memref<40x125xi32, #tpu.memory_space<vmem>>)
        tpu.yield
      }) : () -> ()
      %dma_start3A = arith.constant 0 : i32
      %dma_start3A_24 = arith.constant 0 : i32
      %dma_start3A_25 = tpu.memref_slice %arg7[%dma_start3A, %dma_start3A_24] : memref<40x125xi32, #tpu.memory_space<vmem>> -> memref<1x125xi32, #tpu.memory_space<vmem>>
      %dma_start3A_26 = tpu.memref_squeeze %dma_start3A_25 : memref<1x125xi32, #tpu.memory_space<vmem>> -> memref<125xi32, #tpu.memory_space<vmem>>
      %dma_start3A_27 = arith.constant 0 : i32
      %dma_start3A_28 = arith.constant 0 : i32
      %dma_start3A_29 = tpu.memref_slice %arg2[%dma_start3A_27, %dma_start3A_28] : memref<10000x128xf32, #tpu.memory_space<hbm>> -> memref<10000x128xf32, #tpu.memory_space<hbm>>
      tpu.enqueue_indirect_dma source(%dma_start3A_29 : memref<10000x128xf32, #tpu.memory_space<hbm>>) target(%arg9 : memref<125x128xf32, #tpu.memory_space<vmem>>) offsets(%dma_start3A_26 : memref<125xi32, #tpu.memory_space<vmem>>) semaphore(%arg12 : memref<!tpu.dma_semaphore, #tpu.memory_space<semaphore_mem>>)
      %dma_start3A_30 = arith.constant 1 : i32
      %dma_start3A_31 = arith.constant 0 : i32
      %dma_start3A_32 = tpu.memref_slice %arg7[%dma_start3A_30, %dma_start3A_31] : memref<40x125xi32, #tpu.memory_space<vmem>> -> memref<1x125xi32, #tpu.memory_space<vmem>>
      %dma_start3A_33 = tpu.memref_squeeze %dma_start3A_32 : memref<1x125xi32, #tpu.memory_space<vmem>> -> memref<125xi32, #tpu.memory_space<vmem>>
      %dma_start3A_34 = arith.constant 0 : i32
      %dma_start3A_35 = arith.constant 0 : i32
      %dma_start3A_36 = tpu.memref_slice %arg2[%dma_start3A_34, %dma_start3A_35] : memref<10000x128xf32, #tpu.memory_space<hbm>> -> memref<10000x128xf32, #tpu.memory_space<hbm>>
      tpu.enqueue_indirect_dma source(%dma_start3A_36 : memref<10000x128xf32, #tpu.memory_space<hbm>>) target(%arg10 : memref<125x128xf32, #tpu.memory_space<vmem>>) offsets(%dma_start3A_33 : memref<125xi32, #tpu.memory_space<vmem>>) semaphore(%arg13 : memref<!tpu.dma_semaphore, #tpu.memory_space<semaphore_mem>>)
      %scan3A_37 = arith.constant 0 : i32
      %scan3A_38 = arith.constant 0 : i32
      %scan3A_39 = arith.constant 20 : i32
      %scan3A_40 = arith.addi %scan3A_38, %scan3A_39 : i32
      %scan3A_41 = arith.constant 1 : i32
      scf.for %scan3A_43 = %scan3A_38 to %scan3A_40 step %scan3A_41  : i32 {
        %mul3A_44 = arith.constant 2 : i32
        %mul3A_45 = arith.muli %mul3A_44, %scan3A_43 : i32
        %add3A_46 = arith.constant 1 : i32
        %add3A_47 = arith.addi %mul3A_45, %add3A_46 : i32
        %dma_wait3A = arith.constant 0 : i32
        %dma_wait3A_48 = tpu.memref_slice %arg7[%mul3A_45, %dma_wait3A] : memref<40x125xi32, #tpu.memory_space<vmem>> -> memref<1x125xi32, #tpu.memory_space<vmem>>
        %dma_wait3A_49 = tpu.memref_squeeze %dma_wait3A_48 : memref<1x125xi32, #tpu.memory_space<vmem>> -> memref<125xi32, #tpu.memory_space<vmem>>
        %dma_wait3A_50 = arith.constant 0 : i32
        %dma_wait3A_51 = arith.constant 0 : i32
        %dma_wait3A_52 = tpu.memref_slice %arg2[%dma_wait3A_50, %dma_wait3A_51] : memref<10000x128xf32, #tpu.memory_space<hbm>> -> memref<10000x128xf32, #tpu.memory_space<hbm>>
        tpu.wait_indirect_dma semaphore(%arg12 : memref<!tpu.dma_semaphore, #tpu.memory_space<semaphore_mem>>) src(%dma_wait3A_52 : memref<10000x128xf32, #tpu.memory_space<hbm>>) dst(%arg9 : memref<125x128xf32, #tpu.memory_space<vmem>>)
        "tpu.region"() ({
          %run_scoped3A = tpu.sem_alloc : memref<!tpu.dma_semaphore, #tpu.memory_space<semaphore_mem>>
          %dma_start3A_70 = arith.constant 0 : i32
          %dma_start3A_71 = tpu.memref_slice %arg8[%mul3A_45, %dma_start3A_70] : memref<40x125xi32, #tpu.memory_space<vmem>> -> memref<1x125xi32, #tpu.memory_space<vmem>>
          %dma_start3A_72 = tpu.memref_squeeze %dma_start3A_71 : memref<1x125xi32, #tpu.memory_space<vmem>> -> memref<125xi32, #tpu.memory_space<vmem>>
          %dma_start3A_73 = arith.constant 0 : i32
          %dma_start3A_74 = arith.constant 0 : i32
          %dma_start3A_75 = tpu.memref_slice %arg11[%dma_start3A_73, %dma_start3A_74] : memref<10112x128xf32, #tpu.memory_space<vmem_shared>> -> memref<10112x128xf32, #tpu.memory_space<vmem_shared>>
          tpu.enqueue_indirect_dma source(%arg9 : memref<125x128xf32, #tpu.memory_space<vmem>>) target(%dma_start3A_75 : memref<10112x128xf32, #tpu.memory_space<vmem_shared>>) offsets(%dma_start3A_72 : memref<125xi32, #tpu.memory_space<vmem>>) semaphore(%run_scoped3A : memref<!tpu.dma_semaphore, #tpu.memory_space<semaphore_mem>>) {add = true}
          %dma_wait3A_76 = arith.constant 0 : i32
          %dma_wait3A_77 = tpu.memref_slice %arg8[%mul3A_45, %dma_wait3A_76] : memref<40x125xi32, #tpu.memory_space<vmem>> -> memref<1x125xi32, #tpu.memory_space<vmem>>
          %dma_wait3A_78 = tpu.memref_squeeze %dma_wait3A_77 : memref<1x125xi32, #tpu.memory_space<vmem>> -> memref<125xi32, #tpu.memory_space<vmem>>
          %dma_wait3A_79 = arith.constant 0 : i32
          %dma_wait3A_80 = arith.constant 0 : i32
          %dma_wait3A_81 = tpu.memref_slice %arg11[%dma_wait3A_79, %dma_wait3A_80] : memref<10112x128xf32, #tpu.memory_space<vmem_shared>> -> memref<10112x128xf32, #tpu.memory_space<vmem_shared>>
          tpu.wait_indirect_dma semaphore(%run_scoped3A : memref<!tpu.dma_semaphore, #tpu.memory_space<semaphore_mem>>) src(%arg9 : memref<125x128xf32, #tpu.memory_space<vmem>>) dst(%dma_wait3A_81 : memref<10112x128xf32, #tpu.memory_space<vmem_shared>>)
          tpu.yield
        }) : () -> ()
        %add3A_53 = arith.constant 2 : i32
        %add3A_54 = arith.addi %mul3A_45, %add3A_53 : i32
        %lt3A = arith.constant 40 : i32
        %lt3A_55 = arith.cmpi slt, %add3A_54, %lt3A : i32
        %convert_element_type3A = arith.extui %lt3A_55 : i1 to i32
        %cond3A = arith.constant 0 : i32
        %cond3A_56 = arith.cmpi ne, %convert_element_type3A, %cond3A : i32
        scf.if %cond3A_56 {
          %add3A_70 = arith.constant 2 : i32
          %add3A_71 = arith.addi %mul3A_45, %add3A_70 : i32
          %dma_start3A_72 = arith.constant 0 : i32
          %dma_start3A_73 = tpu.memref_slice %arg7[%add3A_71, %dma_start3A_72] : memref<40x125xi32, #tpu.memory_space<vmem>> -> memref<1x125xi32, #tpu.memory_space<vmem>>
          %dma_start3A_74 = tpu.memref_squeeze %dma_start3A_73 : memref<1x125xi32, #tpu.memory_space<vmem>> -> memref<125xi32, #tpu.memory_space<vmem>>
          %dma_start3A_75 = arith.constant 0 : i32
          %dma_start3A_76 = arith.constant 0 : i32
          %dma_start3A_77 = tpu.memref_slice %arg2[%dma_start3A_75, %dma_start3A_76] : memref<10000x128xf32, #tpu.memory_space<hbm>> -> memref<10000x128xf32, #tpu.memory_space<hbm>>
          tpu.enqueue_indirect_dma source(%dma_start3A_77 : memref<10000x128xf32, #tpu.memory_space<hbm>>) target(%arg9 : memref<125x128xf32, #tpu.memory_space<vmem>>) offsets(%dma_start3A_74 : memref<125xi32, #tpu.memory_space<vmem>>) semaphore(%arg12 : memref<!tpu.dma_semaphore, #tpu.memory_space<semaphore_mem>>)
        } else {
        }
        %dma_wait3A_57 = arith.constant 0 : i32
        %dma_wait3A_58 = tpu.memref_slice %arg7[%add3A_47, %dma_wait3A_57] : memref<40x125xi32, #tpu.memory_space<vmem>> -> memref<1x125xi32, #tpu.memory_space<vmem>>
        %dma_wait3A_59 = tpu.memref_squeeze %dma_wait3A_58 : memref<1x125xi32, #tpu.memory_space<vmem>> -> memref<125xi32, #tpu.memory_space<vmem>>
        %dma_wait3A_60 = arith.constant 0 : i32
        %dma_wait3A_61 = arith.constant 0 : i32
        %dma_wait3A_62 = tpu.memref_slice %arg2[%dma_wait3A_60, %dma_wait3A_61] : memref<10000x128xf32, #tpu.memory_space<hbm>> -> memref<10000x128xf32, #tpu.memory_space<hbm>>
        tpu.wait_indirect_dma semaphore(%arg13 : memref<!tpu.dma_semaphore, #tpu.memory_space<semaphore_mem>>) src(%dma_wait3A_62 : memref<10000x128xf32, #tpu.memory_space<hbm>>) dst(%arg10 : memref<125x128xf32, #tpu.memory_space<vmem>>)
        "tpu.region"() ({
          %run_scoped3A = tpu.sem_alloc : memref<!tpu.dma_semaphore, #tpu.memory_space<semaphore_mem>>
          %dma_start3A_70 = arith.constant 0 : i32
          %dma_start3A_71 = tpu.memref_slice %arg8[%add3A_47, %dma_start3A_70] : memref<40x125xi32, #tpu.memory_space<vmem>> -> memref<1x125xi32, #tpu.memory_space<vmem>>
          %dma_start3A_72 = tpu.memref_squeeze %dma_start3A_71 : memref<1x125xi32, #tpu.memory_space<vmem>> -> memref<125xi32, #tpu.memory_space<vmem>>
          %dma_start3A_73 = arith.constant 0 : i32
          %dma_start3A_74 = arith.constant 0 : i32
          %dma_start3A_75 = tpu.memref_slice %arg11[%dma_start3A_73, %dma_start3A_74] : memref<10112x128xf32, #tpu.memory_space<vmem_shared>> -> memref<10112x128xf32, #tpu.memory_space<vmem_shared>>
          tpu.enqueue_indirect_dma source(%arg10 : memref<125x128xf32, #tpu.memory_space<vmem>>) target(%dma_start3A_75 : memref<10112x128xf32, #tpu.memory_space<vmem_shared>>) offsets(%dma_start3A_72 : memref<125xi32, #tpu.memory_space<vmem>>) semaphore(%run_scoped3A : memref<!tpu.dma_semaphore, #tpu.memory_space<semaphore_mem>>) {add = true}
          %dma_wait3A_76 = arith.constant 0 : i32
          %dma_wait3A_77 = tpu.memref_slice %arg8[%add3A_47, %dma_wait3A_76] : memref<40x125xi32, #tpu.memory_space<vmem>> -> memref<1x125xi32, #tpu.memory_space<vmem>>
          %dma_wait3A_78 = tpu.memref_squeeze %dma_wait3A_77 : memref<1x125xi32, #tpu.memory_space<vmem>> -> memref<125xi32, #tpu.memory_space<vmem>>
          %dma_wait3A_79 = arith.constant 0 : i32
          %dma_wait3A_80 = arith.constant 0 : i32
          %dma_wait3A_81 = tpu.memref_slice %arg11[%dma_wait3A_79, %dma_wait3A_80] : memref<10112x128xf32, #tpu.memory_space<vmem_shared>> -> memref<10112x128xf32, #tpu.memory_space<vmem_shared>>
          tpu.wait_indirect_dma semaphore(%run_scoped3A : memref<!tpu.dma_semaphore, #tpu.memory_space<semaphore_mem>>) src(%arg10 : memref<125x128xf32, #tpu.memory_space<vmem>>) dst(%dma_wait3A_81 : memref<10112x128xf32, #tpu.memory_space<vmem_shared>>)
          tpu.yield
        }) : () -> ()
        %add3A_63 = arith.constant 2 : i32
        %add3A_64 = arith.addi %add3A_47, %add3A_63 : i32
        %lt3A_65 = arith.constant 40 : i32
        %lt3A_66 = arith.cmpi slt, %add3A_64, %lt3A_65 : i32
        %convert_element_type3A_67 = arith.extui %lt3A_66 : i1 to i32
        %cond3A_68 = arith.constant 0 : i32
        %cond3A_69 = arith.cmpi ne, %convert_element_type3A_67, %cond3A_68 : i32
        scf.if %cond3A_69 {
          %add3A_70 = arith.constant 2 : i32
          %add3A_71 = arith.addi %add3A_47, %add3A_70 : i32
          %dma_start3A_72 = arith.constant 0 : i32
          %dma_start3A_73 = tpu.memref_slice %arg7[%add3A_71, %dma_start3A_72] : memref<40x125xi32, #tpu.memory_space<vmem>> -> memref<1x125xi32, #tpu.memory_space<vmem>>
          %dma_start3A_74 = tpu.memref_squeeze %dma_start3A_73 : memref<1x125xi32, #tpu.memory_space<vmem>> -> memref<125xi32, #tpu.memory_space<vmem>>
          %dma_start3A_75 = arith.constant 0 : i32
          %dma_start3A_76 = arith.constant 0 : i32
          %dma_start3A_77 = tpu.memref_slice %arg2[%dma_start3A_75, %dma_start3A_76] : memref<10000x128xf32, #tpu.memory_space<hbm>> -> memref<10000x128xf32, #tpu.memory_space<hbm>>
          tpu.enqueue_indirect_dma source(%dma_start3A_77 : memref<10000x128xf32, #tpu.memory_space<hbm>>) target(%arg10 : memref<125x128xf32, #tpu.memory_space<vmem>>) offsets(%dma_start3A_74 : memref<125xi32, #tpu.memory_space<vmem>>) semaphore(%arg13 : memref<!tpu.dma_semaphore, #tpu.memory_space<semaphore_mem>>)
        } else {
        }
      }
      %scan3A_42 = arith.constant 20 : i32
    }
    %scan3A_9 = arith.constant 2 : i32
    %barrier3A_10 = arith.constant 0 : index
    tpu.barrier barrier_id(%barrier3A_10)
    %mul3A_11 = arith.constant 632 : i32
    %mul3A_12 = arith.muli %arg1, %mul3A_11 : i32
    %mul3A_13 = arith.constant 10112 : i32
    %mul3A_14 = arith.muli %arg0, %mul3A_13 : i32
    %mul3A_15 = arith.constant 632 : i32
    %mul3A_16 = arith.muli %arg1, %mul3A_15 : i32
    %add3A_17 = arith.addi %mul3A_14, %mul3A_16 : i32
    "tpu.region"() ({
      %run_scoped3A = tpu.sem_alloc : memref<!tpu.dma_semaphore, #tpu.memory_space<semaphore_mem>>
      %dma_start3A = arith.constant 0 : i32
      %dma_start3A_18 = tpu.memref_slice %arg6[%add3A_17, %dma_start3A] : memref<20224x128xf32, #tpu.memory_space<hbm>> -> memref<632x128xf32, #tpu.memory_space<hbm>>
      %dma_start3A_19 = arith.constant 0 : i32
      %dma_start3A_20 = tpu.memref_slice %arg11[%mul3A_12, %dma_start3A_19] : memref<10112x128xf32, #tpu.memory_space<vmem_shared>> -> memref<632x128xf32, #tpu.memory_space<vmem_shared>>
      tpu.enqueue_dma source(%dma_start3A_20 : memref<632x128xf32, #tpu.memory_space<vmem_shared>>) target(%dma_start3A_18 : memref<632x128xf32, #tpu.memory_space<hbm>>) target_semaphore(%run_scoped3A : memref<!tpu.dma_semaphore, #tpu.memory_space<semaphore_mem>>)
      %dma_wait3A = arith.constant 0 : i32
      %dma_wait3A_21 = tpu.memref_slice %arg6[%add3A_17, %dma_wait3A] : memref<20224x128xf32, #tpu.memory_space<hbm>> -> memref<632x128xf32, #tpu.memory_space<hbm>>
      %dma_wait3A_22 = arith.constant 0 : i32
      %dma_wait3A_23 = tpu.memref_slice %arg11[%mul3A_12, %dma_wait3A_22] : memref<10112x128xf32, #tpu.memory_space<vmem_shared>> -> memref<632x128xf32, #tpu.memory_space<vmem_shared>>
      tpu.wait_dma2 semaphore(%run_scoped3A : memref<!tpu.dma_semaphore, #tpu.memory_space<semaphore_mem>>) src(%dma_wait3A_23 : memref<632x128xf32, #tpu.memory_space<vmem_shared>>) dst(%dma_wait3A_21 : memref<632x128xf32, #tpu.memory_space<hbm>>)
      tpu.yield
    }) : () -> ()
    return
  }
}

#map = affine_map<(d0, d1) -> (0, 0)>
module attributes {stable_mosaic.version = 14 : i64} {
  func.func @k(%arg0: i32, %arg1: i32, %arg2: memref<10000x128xf32, #tpu.memory_space<hbm>>, %arg3: memref<2560x125xi32, #tpu.memory_space<hbm>>, %arg4: memref<2560x125xi32, #tpu.memory_space<hbm>>, %arg5: memref<10112x128xf32, #tpu.memory_space<hbm>>, %arg6: memref<20224x128xf32, #tpu.memory_space<hbm>>, %arg7: memref<40x125xi32, #tpu.memory_space<vmem>>, %arg8: memref<40x125xi32, #tpu.memory_space<vmem>>, %arg9: memref<125x128xf32, #tpu.memory_space<vmem>>, %arg10: memref<125x128xf32, #tpu.memory_space<vmem>>, %arg11: memref<10112x128xf32, #tpu.memory_space<vmem_shared>>, %arg12: memref<!tpu.dma_semaphore, #tpu.memory_space<semaphore_mem>>, %arg13: memref<!tpu.dma_semaphore, #tpu.memory_space<semaphore_mem>>) attributes {dimension_semantics = [#tpu.dimension_semantics<core_parallel>, #tpu.dimension_semantics<subcore_parallel>], iteration_bounds = array<i64: 2, 16>, scalar_prefetch = 0 : i64, scratch_operands = 7 : i64, tpu.core_type = #tpu.core_type<sc_vector_subcore>, window_params = [{transform_indices = #map}, {transform_indices = #map}, {transform_indices = #map}, {transform_indices = #map}, {transform_indices = #map}]} {
    %mul3A = arith.constant 16 : i32
    %mul3A_0 = arith.muli %arg0, %mul3A : i32
    %add3A = arith.addi %mul3A_0, %arg1 : i32
    %mul3A_1 = arith.constant 632 : i32
    %mul3A_2 = arith.muli %arg1, %mul3A_1 : i32
    %mul3A_3 = arith.constant 632 : i32
    %mul3A_4 = arith.muli %arg1, %mul3A_3 : i32
    "tpu.region"() ({
      %run_scoped3A = tpu.sem_alloc : memref<!tpu.dma_semaphore, #tpu.memory_space<semaphore_mem>>
      %dma_start3A = arith.constant 0 : i32
      %dma_start3A_18 = tpu.memref_slice %arg11[%mul3A_4, %dma_start3A] : memref<10112x128xf32, #tpu.memory_space<vmem_shared>> -> memref<632x128xf32, #tpu.memory_space<vmem_shared>>
      %dma_start3A_19 = arith.constant 0 : i32
      %dma_start3A_20 = tpu.memref_slice %arg5[%mul3A_2, %dma_start3A_19] : memref<10112x128xf32, #tpu.memory_space<hbm>> -> memref<632x128xf32, #tpu.memory_space<hbm>>
      tpu.enqueue_dma source(%dma_start3A_20 : memref<632x128xf32, #tpu.memory_space<hbm>>) target(%dma_start3A_18 : memref<632x128xf32, #tpu.memory_space<vmem_shared>>) target_semaphore(%run_scoped3A : memref<!tpu.dma_semaphore, #tpu.memory_space<semaphore_mem>>)
      %dma_wait3A = arith.constant 0 : i32
      %dma_wait3A_21 = tpu.memref_slice %arg11[%mul3A_4, %dma_wait3A] : memref<10112x128xf32, #tpu.memory_space<vmem_shared>> -> memref<632x128xf32, #tpu.memory_space<vmem_shared>>
      %dma_wait3A_22 = arith.constant 0 : i32
      %dma_wait3A_23 = tpu.memref_slice %arg5[%mul3A_2, %dma_wait3A_22] : memref<10112x128xf32, #tpu.memory_space<hbm>> -> memref<632x128xf32, #tpu.memory_space<hbm>>
      tpu.wait_dma2 semaphore(%run_scoped3A : memref<!tpu.dma_semaphore, #tpu.memory_space<semaphore_mem>>) src(%dma_wait3A_23 : memref<632x128xf32, #tpu.memory_space<hbm>>) dst(%dma_wait3A_21 : memref<632x128xf32, #tpu.memory_space<vmem_shared>>)
      tpu.yield
    }) : () -> ()
    %barrier3A = arith.constant 0 : index
    tpu.barrier barrier_id(%barrier3A)
    %scan3A = arith.constant 0 : i32
    %scan3A_5 = arith.constant 0 : i32
    %scan3A_6 = arith.constant 2 : i32
    %scan3A_7 = arith.addi %scan3A_5, %scan3A_6 : i32
    %scan3A_8 = arith.constant 1 : i32
    scf.for %scan3A_18 = %scan3A_5 to %scan3A_7 step %scan3A_8  : i32 {
      %mul3A_19 = arith.constant 80 : i32
      %mul3A_20 = arith.muli %add3A, %mul3A_19 : i32
      %mul3A_21 = arith.constant 40 : i32
      %mul3A_22 = arith.muli %scan3A_18, %mul3A_21 : i32
      %add3A_23 = arith.addi %mul3A_20, %mul3A_22 : i32
      "tpu.region"() ({
        %run_scoped3A = tpu.sem_alloc : memref<!tpu.dma_semaphore, #tpu.memory_space<semaphore_mem>>
        %dma_start3A_43 = arith.constant 0 : i32
        %dma_start3A_44 = tpu.memref_slice %arg3[%add3A_23, %dma_start3A_43] : memref<2560x125xi32, #tpu.memory_space<hbm>> -> memref<40x125xi32, #tpu.memory_space<hbm>>
        %dma_start3A_45 = arith.constant 0 : i32
        %dma_start3A_46 = tpu.memref_slice %arg3[%add3A_23, %dma_start3A_45] : memref<2560x125xi32, #tpu.memory_space<hbm>> -> memref<40x125xi32, #tpu.memory_space<hbm>>
        tpu.enqueue_dma source(%dma_start3A_46 : memref<40x125xi32, #tpu.memory_space<hbm>>) target(%arg7 : memref<40x125xi32, #tpu.memory_space<vmem>>) target_semaphore(%run_scoped3A : memref<!tpu.dma_semaphore, #tpu.memory_space<semaphore_mem>>)
        %dma_wait3A = arith.constant 0 : i32
        %dma_wait3A_47 = tpu.memref_slice %arg3[%add3A_23, %dma_wait3A] : memref<2560x125xi32, #tpu.memory_space<hbm>> -> memref<40x125xi32, #tpu.memory_space<hbm>>
        %dma_wait3A_48 = arith.constant 0 : i32
        %dma_wait3A_49 = tpu.memref_slice %arg3[%add3A_23, %dma_wait3A_48] : memref<2560x125xi32, #tpu.memory_space<hbm>> -> memref<40x125xi32, #tpu.memory_space<hbm>>
        tpu.wait_dma2 semaphore(%run_scoped3A : memref<!tpu.dma_semaphore, #tpu.memory_space<semaphore_mem>>) src(%dma_wait3A_49 : memref<40x125xi32, #tpu.memory_space<hbm>>) dst(%arg7 : memref<40x125xi32, #tpu.memory_space<vmem>>)
        tpu.yield
      }) : () -> ()
      "tpu.region"() ({
        %run_scoped3A = tpu.sem_alloc : memref<!tpu.dma_semaphore, #tpu.memory_space<semaphore_mem>>
        %dma_start3A_43 = arith.constant 0 : i32
        %dma_start3A_44 = tpu.memref_slice %arg4[%add3A_23, %dma_start3A_43] : memref<2560x125xi32, #tpu.memory_space<hbm>> -> memref<40x125xi32, #tpu.memory_space<hbm>>
        %dma_start3A_45 = arith.constant 0 : i32
        %dma_start3A_46 = tpu.memref_slice %arg4[%add3A_23, %dma_start3A_45] : memref<2560x125xi32, #tpu.memory_space<hbm>> -> memref<40x125xi32, #tpu.memory_space<hbm>>
        tpu.enqueue_dma source(%dma_start3A_46 : memref<40x125xi32, #tpu.memory_space<hbm>>) target(%arg8 : memref<40x125xi32, #tpu.memory_space<vmem>>) target_semaphore(%run_scoped3A : memref<!tpu.dma_semaphore, #tpu.memory_space<semaphore_mem>>)
        %dma_wait3A = arith.constant 0 : i32
        %dma_wait3A_47 = tpu.memref_slice %arg4[%add3A_23, %dma_wait3A] : memref<2560x125xi32, #tpu.memory_space<hbm>> -> memref<40x125xi32, #tpu.memory_space<hbm>>
        %dma_wait3A_48 = arith.constant 0 : i32
        %dma_wait3A_49 = tpu.memref_slice %arg4[%add3A_23, %dma_wait3A_48] : memref<2560x125xi32, #tpu.memory_space<hbm>> -> memref<40x125xi32, #tpu.memory_space<hbm>>
        tpu.wait_dma2 semaphore(%run_scoped3A : memref<!tpu.dma_semaphore, #tpu.memory_space<semaphore_mem>>) src(%dma_wait3A_49 : memref<40x125xi32, #tpu.memory_space<hbm>>) dst(%arg8 : memref<40x125xi32, #tpu.memory_space<vmem>>)
        tpu.yield
      }) : () -> ()
      %dma_start3A = arith.constant 0 : i32
      %dma_start3A_24 = arith.constant 0 : i32
      %dma_start3A_25 = tpu.memref_slice %arg7[%dma_start3A, %dma_start3A_24] : memref<40x125xi32, #tpu.memory_space<vmem>> -> memref<1x125xi32, #tpu.memory_space<vmem>>
      %dma_start3A_26 = tpu.memref_squeeze %dma_start3A_25 : memref<1x125xi32, #tpu.memory_space<vmem>> -> memref<125xi32, #tpu.memory_space<vmem>>
      %dma_start3A_27 = arith.constant 0 : i32
      %dma_start3A_28 = arith.constant 0 : i32
      %dma_start3A_29 = tpu.memref_slice %arg2[%dma_start3A_27, %dma_start3A_28] : memref<10000x128xf32, #tpu.memory_space<hbm>> -> memref<10000x128xf32, #tpu.memory_space<hbm>>
      tpu.enqueue_indirect_dma source(%dma_start3A_29 : memref<10000x128xf32, #tpu.memory_space<hbm>>) target(%arg9 : memref<125x128xf32, #tpu.memory_space<vmem>>) offsets(%dma_start3A_26 : memref<125xi32, #tpu.memory_space<vmem>>) semaphore(%arg12 : memref<!tpu.dma_semaphore, #tpu.memory_space<semaphore_mem>>)
      %dma_start3A_30 = arith.constant 1 : i32
      %dma_start3A_31 = arith.constant 0 : i32
      %dma_start3A_32 = tpu.memref_slice %arg7[%dma_start3A_30, %dma_start3A_31] : memref<40x125xi32, #tpu.memory_space<vmem>> -> memref<1x125xi32, #tpu.memory_space<vmem>>
      %dma_start3A_33 = tpu.memref_squeeze %dma_start3A_32 : memref<1x125xi32, #tpu.memory_space<vmem>> -> memref<125xi32, #tpu.memory_space<vmem>>
      %dma_start3A_34 = arith.constant 0 : i32
      %dma_start3A_35 = arith.constant 0 : i32
      %dma_start3A_36 = tpu.memref_slice %arg2[%dma_start3A_34, %dma_start3A_35] : memref<10000x128xf32, #tpu.memory_space<hbm>> -> memref<10000x128xf32, #tpu.memory_space<hbm>>
      tpu.enqueue_indirect_dma source(%dma_start3A_36 : memref<10000x128xf32, #tpu.memory_space<hbm>>) target(%arg10 : memref<125x128xf32, #tpu.memory_space<vmem>>) offsets(%dma_start3A_33 : memref<125xi32, #tpu.memory_space<vmem>>) semaphore(%arg13 : memref<!tpu.dma_semaphore, #tpu.memory_space<semaphore_mem>>)
      %scan3A_37 = arith.constant 0 : i32
      %scan3A_38 = arith.constant 0 : i32
      %scan3A_39 = arith.constant 20 : i32
      %scan3A_40 = arith.addi %scan3A_38, %scan3A_39 : i32
      %scan3A_41 = arith.constant 1 : i32
      scf.for %scan3A_43 = %scan3A_38 to %scan3A_40 step %scan3A_41  : i32 {
        %mul3A_44 = arith.constant 2 : i32
        %mul3A_45 = arith.muli %mul3A_44, %scan3A_43 : i32
        %add3A_46 = arith.constant 1 : i32
        %add3A_47 = arith.addi %mul3A_45, %add3A_46 : i32
        %dma_wait3A = arith.constant 0 : i32
        %dma_wait3A_48 = tpu.memref_slice %arg7[%mul3A_45, %dma_wait3A] : memref<40x125xi32, #tpu.memory_space<vmem>> -> memref<1x125xi32, #tpu.memory_space<vmem>>
        %dma_wait3A_49 = tpu.memref_squeeze %dma_wait3A_48 : memref<1x125xi32, #tpu.memory_space<vmem>> -> memref<125xi32, #tpu.memory_space<vmem>>
        %dma_wait3A_50 = arith.constant 0 : i32
        %dma_wait3A_51 = arith.constant 0 : i32
        %dma_wait3A_52 = tpu.memref_slice %arg2[%dma_wait3A_50, %dma_wait3A_51] : memref<10000x128xf32, #tpu.memory_space<hbm>> -> memref<10000x128xf32, #tpu.memory_space<hbm>>
        tpu.wait_indirect_dma semaphore(%arg12 : memref<!tpu.dma_semaphore, #tpu.memory_space<semaphore_mem>>) src(%dma_wait3A_52 : memref<10000x128xf32, #tpu.memory_space<hbm>>) dst(%arg9 : memref<125x128xf32, #tpu.memory_space<vmem>>)
        "tpu.region"() ({
          %run_scoped3A = tpu.sem_alloc : memref<!tpu.dma_semaphore, #tpu.memory_space<semaphore_mem>>
          %dma_start3A_70 = arith.constant 0 : i32
          %dma_start3A_71 = tpu.memref_slice %arg8[%mul3A_45, %dma_start3A_70] : memref<40x125xi32, #tpu.memory_space<vmem>> -> memref<1x125xi32, #tpu.memory_space<vmem>>
          %dma_start3A_72 = tpu.memref_squeeze %dma_start3A_71 : memref<1x125xi32, #tpu.memory_space<vmem>> -> memref<125xi32, #tpu.memory_space<vmem>>
          %dma_start3A_73 = arith.constant 0 : i32
          %dma_start3A_74 = arith.constant 0 : i32
          %dma_start3A_75 = tpu.memref_slice %arg11[%dma_start3A_73, %dma_start3A_74] : memref<10112x128xf32, #tpu.memory_space<vmem_shared>> -> memref<10112x128xf32, #tpu.memory_space<vmem_shared>>
          tpu.enqueue_indirect_dma source(%arg9 : memref<125x128xf32, #tpu.memory_space<vmem>>) target(%dma_start3A_75 : memref<10112x128xf32, #tpu.memory_space<vmem_shared>>) offsets(%dma_start3A_72 : memref<125xi32, #tpu.memory_space<vmem>>) semaphore(%run_scoped3A : memref<!tpu.dma_semaphore, #tpu.memory_space<semaphore_mem>>) {add = true}
          %dma_wait3A_76 = arith.constant 0 : i32
          %dma_wait3A_77 = tpu.memref_slice %arg8[%mul3A_45, %dma_wait3A_76] : memref<40x125xi32, #tpu.memory_space<vmem>> -> memref<1x125xi32, #tpu.memory_space<vmem>>
          %dma_wait3A_78 = tpu.memref_squeeze %dma_wait3A_77 : memref<1x125xi32, #tpu.memory_space<vmem>> -> memref<125xi32, #tpu.memory_space<vmem>>
          %dma_wait3A_79 = arith.constant 0 : i32
          %dma_wait3A_80 = arith.constant 0 : i32
          %dma_wait3A_81 = tpu.memref_slice %arg11[%dma_wait3A_79, %dma_wait3A_80] : memref<10112x128xf32, #tpu.memory_space<vmem_shared>> -> memref<10112x128xf32, #tpu.memory_space<vmem_shared>>
          tpu.wait_indirect_dma semaphore(%run_scoped3A : memref<!tpu.dma_semaphore, #tpu.memory_space<semaphore_mem>>) src(%arg9 : memref<125x128xf32, #tpu.memory_space<vmem>>) dst(%dma_wait3A_81 : memref<10112x128xf32, #tpu.memory_space<vmem_shared>>)
          tpu.yield
        }) : () -> ()
        %add3A_53 = arith.constant 2 : i32
        %add3A_54 = arith.addi %mul3A_45, %add3A_53 : i32
        %lt3A = arith.constant 40 : i32
        %lt3A_55 = arith.cmpi slt, %add3A_54, %lt3A : i32
        %convert_element_type3A = arith.extui %lt3A_55 : i1 to i32
        %cond3A = arith.constant 0 : i32
        %cond3A_56 = arith.cmpi ne, %convert_element_type3A, %cond3A : i32
        scf.if %cond3A_56 {
          %add3A_70 = arith.constant 2 : i32
          %add3A_71 = arith.addi %mul3A_45, %add3A_70 : i32
          %dma_start3A_72 = arith.constant 0 : i32
          %dma_start3A_73 = tpu.memref_slice %arg7[%add3A_71, %dma_start3A_72] : memref<40x125xi32, #tpu.memory_space<vmem>> -> memref<1x125xi32, #tpu.memory_space<vmem>>
          %dma_start3A_74 = tpu.memref_squeeze %dma_start3A_73 : memref<1x125xi32, #tpu.memory_space<vmem>> -> memref<125xi32, #tpu.memory_space<vmem>>
          %dma_start3A_75 = arith.constant 0 : i32
          %dma_start3A_76 = arith.constant 0 : i32
          %dma_start3A_77 = tpu.memref_slice %arg2[%dma_start3A_75, %dma_start3A_76] : memref<10000x128xf32, #tpu.memory_space<hbm>> -> memref<10000x128xf32, #tpu.memory_space<hbm>>
          tpu.enqueue_indirect_dma source(%dma_start3A_77 : memref<10000x128xf32, #tpu.memory_space<hbm>>) target(%arg9 : memref<125x128xf32, #tpu.memory_space<vmem>>) offsets(%dma_start3A_74 : memref<125xi32, #tpu.memory_space<vmem>>) semaphore(%arg12 : memref<!tpu.dma_semaphore, #tpu.memory_space<semaphore_mem>>)
        } else {
        }
        %dma_wait3A_57 = arith.constant 0 : i32
        %dma_wait3A_58 = tpu.memref_slice %arg7[%add3A_47, %dma_wait3A_57] : memref<40x125xi32, #tpu.memory_space<vmem>> -> memref<1x125xi32, #tpu.memory_space<vmem>>
        %dma_wait3A_59 = tpu.memref_squeeze %dma_wait3A_58 : memref<1x125xi32, #tpu.memory_space<vmem>> -> memref<125xi32, #tpu.memory_space<vmem>>
        %dma_wait3A_60 = arith.constant 0 : i32
        %dma_wait3A_61 = arith.constant 0 : i32
        %dma_wait3A_62 = tpu.memref_slice %arg2[%dma_wait3A_60, %dma_wait3A_61] : memref<10000x128xf32, #tpu.memory_space<hbm>> -> memref<10000x128xf32, #tpu.memory_space<hbm>>
        tpu.wait_indirect_dma semaphore(%arg13 : memref<!tpu.dma_semaphore, #tpu.memory_space<semaphore_mem>>) src(%dma_wait3A_62 : memref<10000x128xf32, #tpu.memory_space<hbm>>) dst(%arg10 : memref<125x128xf32, #tpu.memory_space<vmem>>)
        "tpu.region"() ({
          %run_scoped3A = tpu.sem_alloc : memref<!tpu.dma_semaphore, #tpu.memory_space<semaphore_mem>>
          %dma_start3A_70 = arith.constant 0 : i32
          %dma_start3A_71 = tpu.memref_slice %arg8[%add3A_47, %dma_start3A_70] : memref<40x125xi32, #tpu.memory_space<vmem>> -> memref<1x125xi32, #tpu.memory_space<vmem>>
          %dma_start3A_72 = tpu.memref_squeeze %dma_start3A_71 : memref<1x125xi32, #tpu.memory_space<vmem>> -> memref<125xi32, #tpu.memory_space<vmem>>
          %dma_start3A_73 = arith.constant 0 : i32
          %dma_start3A_74 = arith.constant 0 : i32
          %dma_start3A_75 = tpu.memref_slice %arg11[%dma_start3A_73, %dma_start3A_74] : memref<10112x128xf32, #tpu.memory_space<vmem_shared>> -> memref<10112x128xf32, #tpu.memory_space<vmem_shared>>
          tpu.enqueue_indirect_dma source(%arg10 : memref<125x128xf32, #tpu.memory_space<vmem>>) target(%dma_start3A_75 : memref<10112x128xf32, #tpu.memory_space<vmem_shared>>) offsets(%dma_start3A_72 : memref<125xi32, #tpu.memory_space<vmem>>) semaphore(%run_scoped3A : memref<!tpu.dma_semaphore, #tpu.memory_space<semaphore_mem>>) {add = true}
          %dma_wait3A_76 = arith.constant 0 : i32
          %dma_wait3A_77 = tpu.memref_slice %arg8[%add3A_47, %dma_wait3A_76] : memref<40x125xi32, #tpu.memory_space<vmem>> -> memref<1x125xi32, #tpu.memory_space<vmem>>
          %dma_wait3A_78 = tpu.memref_squeeze %dma_wait3A_77 : memref<1x125xi32, #tpu.memory_space<vmem>> -> memref<125xi32, #tpu.memory_space<vmem>>
          %dma_wait3A_79 = arith.constant 0 : i32
          %dma_wait3A_80 = arith.constant 0 : i32
          %dma_wait3A_81 = tpu.memref_slice %arg11[%dma_wait3A_79, %dma_wait3A_80] : memref<10112x128xf32, #tpu.memory_space<vmem_shared>> -> memref<10112x128xf32, #tpu.memory_space<vmem_shared>>
          tpu.wait_indirect_dma semaphore(%run_scoped3A : memref<!tpu.dma_semaphore, #tpu.memory_space<semaphore_mem>>) src(%arg10 : memref<125x128xf32, #tpu.memory_space<vmem>>) dst(%dma_wait3A_81 : memref<10112x128xf32, #tpu.memory_space<vmem_shared>>)
          tpu.yield
        }) : () -> ()
        %add3A_63 = arith.constant 2 : i32
        %add3A_64 = arith.addi %add3A_47, %add3A_63 : i32
        %lt3A_65 = arith.constant 40 : i32
        %lt3A_66 = arith.cmpi slt, %add3A_64, %lt3A_65 : i32
        %convert_element_type3A_67 = arith.extui %lt3A_66 : i1 to i32
        %cond3A_68 = arith.constant 0 : i32
        %cond3A_69 = arith.cmpi ne, %convert_element_type3A_67, %cond3A_68 : i32
        scf.if %cond3A_69 {
          %add3A_70 = arith.constant 2 : i32
          %add3A_71 = arith.addi %add3A_47, %add3A_70 : i32
          %dma_start3A_72 = arith.constant 0 : i32
          %dma_start3A_73 = tpu.memref_slice %arg7[%add3A_71, %dma_start3A_72] : memref<40x125xi32, #tpu.memory_space<vmem>> -> memref<1x125xi32, #tpu.memory_space<vmem>>
          %dma_start3A_74 = tpu.memref_squeeze %dma_start3A_73 : memref<1x125xi32, #tpu.memory_space<vmem>> -> memref<125xi32, #tpu.memory_space<vmem>>
          %dma_start3A_75 = arith.constant 0 : i32
          %dma_start3A_76 = arith.constant 0 : i32
          %dma_start3A_77 = tpu.memref_slice %arg2[%dma_start3A_75, %dma_start3A_76] : memref<10000x128xf32, #tpu.memory_space<hbm>> -> memref<10000x128xf32, #tpu.memory_space<hbm>>
          tpu.enqueue_indirect_dma source(%dma_start3A_77 : memref<10000x128xf32, #tpu.memory_space<hbm>>) target(%arg10 : memref<125x128xf32, #tpu.memory_space<vmem>>) offsets(%dma_start3A_74 : memref<125xi32, #tpu.memory_space<vmem>>) semaphore(%arg13 : memref<!tpu.dma_semaphore, #tpu.memory_space<semaphore_mem>>)
        } else {
        }
      }
      %scan3A_42 = arith.constant 20 : i32
    }
    %scan3A_9 = arith.constant 2 : i32
    %barrier3A_10 = arith.constant 0 : index
    tpu.barrier barrier_id(%barrier3A_10)
    %mul3A_11 = arith.constant 632 : i32
    %mul3A_12 = arith.muli %arg1, %mul3A_11 : i32
    %mul3A_13 = arith.constant 10112 : i32
    %mul3A_14 = arith.muli %arg0, %mul3A_13 : i32
    %mul3A_15 = arith.constant 632 : i32
    %mul3A_16 = arith.muli %arg1, %mul3A_15 : i32
    %add3A_17 = arith.addi %mul3A_14, %mul3A_16 : i32
    "tpu.region"() ({
      %run_scoped3A = tpu.sem_alloc : memref<!tpu.dma_semaphore, #tpu.memory_space<semaphore_mem>>
      %dma_start3A = arith.constant 0 : i32
      %dma_start3A_18 = tpu.memref_slice %arg6[%add3A_17, %dma_start3A] : memref<20224x128xf32, #tpu.memory_space<hbm>> -> memref<632x128xf32, #tpu.memory_space<hbm>>
      %dma_start3A_19 = arith.constant 0 : i32
      %dma_start3A_20 = tpu.memref_slice %arg11[%mul3A_12, %dma_start3A_19] : memref<10112x128xf32, #tpu.memory_space<vmem_shared>> -> memref<632x128xf32, #tpu.memory_space<vmem_shared>>
      tpu.enqueue_dma source(%dma_start3A_20 : memref<632x128xf32, #tpu.memory_space<vmem_shared>>) target(%dma_start3A_18 : memref<632x128xf32, #tpu.memory_space<hbm>>) target_semaphore(%run_scoped3A : memref<!tpu.dma_semaphore, #tpu.memory_space<semaphore_mem>>)
      %dma_wait3A = arith.constant 0 : i32
      %dma_wait3A_21 = tpu.memref_slice %arg6[%add3A_17, %dma_wait3A] : memref<20224x128xf32, #tpu.memory_space<hbm>> -> memref<632x128xf32, #tpu.memory_space<hbm>>
      %dma_wait3A_22 = arith.constant 0 : i32
      %dma_wait3A_23 = tpu.memref_slice %arg11[%mul3A_12, %dma_wait3A_22] : memref<10112x128xf32, #tpu.memory_space<vmem_shared>> -> memref<632x128xf32, #tpu.memory_space<vmem_shared>>
      tpu.wait_dma2 semaphore(%run_scoped3A : memref<!tpu.dma_semaphore, #tpu.memory_space<semaphore_mem>>) src(%dma_wait3A_23 : memref<632x128xf32, #tpu.memory_space<vmem_shared>>) dst(%dma_wait3A_21 : memref<632x128xf32, #tpu.memory_space<hbm>>)
      tpu.yield
    }) : () -> ()
    return
  }
}

#map = affine_map<(d0, d1) -> (0, 0)>
module attributes {stable_mosaic.version = 14 : i64} {
  func.func @k(%arg0: i32, %arg1: i32, %arg2: memref<32x10240xi32, #tpu.memory_space<hbm>>, %arg3: memref<32x10240xf32, #tpu.memory_space<hbm>>, %arg4: memref<32x10240xf32, #tpu.memory_space<hbm>>, %arg5: memref<10240xi32, #tpu.memory_space<vmem>>, %arg6: memref<10240xf32, #tpu.memory_space<vmem>>) attributes {dimension_semantics = [#tpu.dimension_semantics<core_parallel>, #tpu.dimension_semantics<subcore_parallel>], iteration_bounds = array<i64: 2, 16>, scalar_prefetch = 0 : i64, scratch_operands = 2 : i64, tpu.core_type = #tpu.core_type<sc_vector_subcore>, window_params = [{transform_indices = #map}, {transform_indices = #map}, {transform_indices = #map}]} {
    %mul3A = arith.constant 16 : i32
    %mul3A_0 = arith.muli %arg0, %mul3A : i32
    %add3A = arith.addi %mul3A_0, %arg1 : i32
    "tpu.region"() ({
      %run_scoped3A = tpu.sem_alloc : memref<!tpu.dma_semaphore, #tpu.memory_space<semaphore_mem>>
      %dma_start3A = arith.constant 0 : i32
      %dma_start3A_6 = tpu.memref_slice %arg3[%add3A, %dma_start3A] : memref<32x10240xf32, #tpu.memory_space<hbm>> -> memref<1x10240xf32, #tpu.memory_space<hbm>>
      %dma_start3A_7 = tpu.memref_squeeze %dma_start3A_6 : memref<1x10240xf32, #tpu.memory_space<hbm>> -> memref<10240xf32, #tpu.memory_space<hbm>>
      %dma_start3A_8 = arith.constant 0 : i32
      %dma_start3A_9 = tpu.memref_slice %arg3[%add3A, %dma_start3A_8] : memref<32x10240xf32, #tpu.memory_space<hbm>> -> memref<1x10240xf32, #tpu.memory_space<hbm>>
      %dma_start3A_10 = tpu.memref_squeeze %dma_start3A_9 : memref<1x10240xf32, #tpu.memory_space<hbm>> -> memref<10240xf32, #tpu.memory_space<hbm>>
      tpu.enqueue_dma source(%dma_start3A_10 : memref<10240xf32, #tpu.memory_space<hbm>>) target(%arg6 : memref<10240xf32, #tpu.memory_space<vmem>>) target_semaphore(%run_scoped3A : memref<!tpu.dma_semaphore, #tpu.memory_space<semaphore_mem>>)
      %dma_wait3A = arith.constant 0 : i32
      %dma_wait3A_11 = tpu.memref_slice %arg3[%add3A, %dma_wait3A] : memref<32x10240xf32, #tpu.memory_space<hbm>> -> memref<1x10240xf32, #tpu.memory_space<hbm>>
      %dma_wait3A_12 = tpu.memref_squeeze %dma_wait3A_11 : memref<1x10240xf32, #tpu.memory_space<hbm>> -> memref<10240xf32, #tpu.memory_space<hbm>>
      %dma_wait3A_13 = arith.constant 0 : i32
      %dma_wait3A_14 = tpu.memref_slice %arg3[%add3A, %dma_wait3A_13] : memref<32x10240xf32, #tpu.memory_space<hbm>> -> memref<1x10240xf32, #tpu.memory_space<hbm>>
      %dma_wait3A_15 = tpu.memref_squeeze %dma_wait3A_14 : memref<1x10240xf32, #tpu.memory_space<hbm>> -> memref<10240xf32, #tpu.memory_space<hbm>>
      tpu.wait_dma2 semaphore(%run_scoped3A : memref<!tpu.dma_semaphore, #tpu.memory_space<semaphore_mem>>) src(%dma_wait3A_15 : memref<10240xf32, #tpu.memory_space<hbm>>) dst(%arg6 : memref<10240xf32, #tpu.memory_space<vmem>>)
      tpu.yield
    }) : () -> ()
    "tpu.region"() ({
      %run_scoped3A = tpu.sem_alloc : memref<!tpu.dma_semaphore, #tpu.memory_space<semaphore_mem>>
      %dma_start3A = arith.constant 0 : i32
      %dma_start3A_6 = tpu.memref_slice %arg2[%add3A, %dma_start3A] : memref<32x10240xi32, #tpu.memory_space<hbm>> -> memref<1x10240xi32, #tpu.memory_space<hbm>>
      %dma_start3A_7 = tpu.memref_squeeze %dma_start3A_6 : memref<1x10240xi32, #tpu.memory_space<hbm>> -> memref<10240xi32, #tpu.memory_space<hbm>>
      %dma_start3A_8 = arith.constant 0 : i32
      %dma_start3A_9 = tpu.memref_slice %arg2[%add3A, %dma_start3A_8] : memref<32x10240xi32, #tpu.memory_space<hbm>> -> memref<1x10240xi32, #tpu.memory_space<hbm>>
      %dma_start3A_10 = tpu.memref_squeeze %dma_start3A_9 : memref<1x10240xi32, #tpu.memory_space<hbm>> -> memref<10240xi32, #tpu.memory_space<hbm>>
      tpu.enqueue_dma source(%dma_start3A_10 : memref<10240xi32, #tpu.memory_space<hbm>>) target(%arg5 : memref<10240xi32, #tpu.memory_space<vmem>>) target_semaphore(%run_scoped3A : memref<!tpu.dma_semaphore, #tpu.memory_space<semaphore_mem>>)
      %dma_wait3A = arith.constant 0 : i32
      %dma_wait3A_11 = tpu.memref_slice %arg2[%add3A, %dma_wait3A] : memref<32x10240xi32, #tpu.memory_space<hbm>> -> memref<1x10240xi32, #tpu.memory_space<hbm>>
      %dma_wait3A_12 = tpu.memref_squeeze %dma_wait3A_11 : memref<1x10240xi32, #tpu.memory_space<hbm>> -> memref<10240xi32, #tpu.memory_space<hbm>>
      %dma_wait3A_13 = arith.constant 0 : i32
      %dma_wait3A_14 = tpu.memref_slice %arg2[%add3A, %dma_wait3A_13] : memref<32x10240xi32, #tpu.memory_space<hbm>> -> memref<1x10240xi32, #tpu.memory_space<hbm>>
      %dma_wait3A_15 = tpu.memref_squeeze %dma_wait3A_14 : memref<1x10240xi32, #tpu.memory_space<hbm>> -> memref<10240xi32, #tpu.memory_space<hbm>>
      tpu.wait_dma2 semaphore(%run_scoped3A : memref<!tpu.dma_semaphore, #tpu.memory_space<semaphore_mem>>) src(%dma_wait3A_15 : memref<10240xi32, #tpu.memory_space<hbm>>) dst(%arg5 : memref<10240xi32, #tpu.memory_space<vmem>>)
      tpu.yield
    }) : () -> ()
    %scan3A = arith.constant 0 : i32
    %scan3A_1 = arith.constant 0 : i32
    %scan3A_2 = arith.constant 640 : i32
    %scan3A_3 = arith.addi %scan3A_1, %scan3A_2 : i32
    %scan3A_4 = arith.constant 1 : i32
    scf.for %scan3A_6 = %scan3A_1 to %scan3A_3 step %scan3A_4  : i32 {
      %mul3A_7 = arith.constant 16 : i32
      %mul3A_8 = arith.muli %scan3A_6, %mul3A_7 : i32
      %get3A = arith.index_cast %mul3A_8 : i32 to index
      %get3A_9 = tpu.vector_load %arg5[%get3A] {strides = array<i32>} : memref<10240xi32, #tpu.memory_space<vmem>>, vector<16xi32>,
      %broadcast_in_dim3A = arith.constant true
      %broadcast_in_dim3A_10 = vector.broadcast %broadcast_in_dim3A : i1 to vector<16xi1>
      %unique3A, %unique3A_11 = tpu.scan_count mask(%broadcast_in_dim3A_10 : vector<16xi1>) value(%get3A_9 : vector<16xi32>) : vector<16xi1>, vector<16xi32>
      %convert_element_type3A = arith.sitofp %unique3A_11 : vector<16xi32> to vector<16xf32>
      tpu.vector_store_idx %arg6[%get3A_9], %convert_element_type3A masked %unique3A {add = true} : memref<10240xf32, #tpu.memory_space<vmem>>[vector<16xi32>], vector<16xf32>, vector<16xi1>
    }
    %scan3A_5 = arith.constant 640 : i32
    "tpu.region"() ({
      %run_scoped3A = tpu.sem_alloc : memref<!tpu.dma_semaphore, #tpu.memory_space<semaphore_mem>>
      %dma_start3A = arith.constant 0 : i32
      %dma_start3A_6 = tpu.memref_slice %arg4[%add3A, %dma_start3A] : memref<32x10240xf32, #tpu.memory_space<hbm>> -> memref<1x10240xf32, #tpu.memory_space<hbm>>
      %dma_start3A_7 = tpu.memref_squeeze %dma_start3A_6 : memref<1x10240xf32, #tpu.memory_space<hbm>> -> memref<10240xf32, #tpu.memory_space<hbm>>
      %dma_start3A_8 = arith.constant 0 : i32
      %dma_start3A_9 = tpu.memref_slice %arg4[%add3A, %dma_start3A_8] : memref<32x10240xf32, #tpu.memory_space<hbm>> -> memref<1x10240xf32, #tpu.memory_space<hbm>>
      %dma_start3A_10 = tpu.memref_squeeze %dma_start3A_9 : memref<1x10240xf32, #tpu.memory_space<hbm>> -> memref<10240xf32, #tpu.memory_space<hbm>>
      tpu.enqueue_dma source(%arg6 : memref<10240xf32, #tpu.memory_space<vmem>>) target(%dma_start3A_10 : memref<10240xf32, #tpu.memory_space<hbm>>) target_semaphore(%run_scoped3A : memref<!tpu.dma_semaphore, #tpu.memory_space<semaphore_mem>>)
      %dma_wait3A = arith.constant 0 : i32
      %dma_wait3A_11 = tpu.memref_slice %arg4[%add3A, %dma_wait3A] : memref<32x10240xf32, #tpu.memory_space<hbm>> -> memref<1x10240xf32, #tpu.memory_space<hbm>>
      %dma_wait3A_12 = tpu.memref_squeeze %dma_wait3A_11 : memref<1x10240xf32, #tpu.memory_space<hbm>> -> memref<10240xf32, #tpu.memory_space<hbm>>
      %dma_wait3A_13 = arith.constant 0 : i32
      %dma_wait3A_14 = tpu.memref_slice %arg4[%add3A, %dma_wait3A_13] : memref<32x10240xf32, #tpu.memory_space<hbm>> -> memref<1x10240xf32, #tpu.memory_space<hbm>>
      %dma_wait3A_15 = tpu.memref_squeeze %dma_wait3A_14 : memref<1x10240xf32, #tpu.memory_space<hbm>> -> memref<10240xf32, #tpu.memory_space<hbm>>
      tpu.wait_dma2 semaphore(%run_scoped3A : memref<!tpu.dma_semaphore, #tpu.memory_space<semaphore_mem>>) src(%arg6 : memref<10240xf32, #tpu.memory_space<vmem>>) dst(%dma_wait3A_15 : memref<10240xf32, #tpu.memory_space<hbm>>)
      tpu.yield
    }) : () -> ()
    return
  }
}

module attributes {stable_mosaic.version = 14 : i64} {
  func.func @body(%arg0: memref<2560x128xf32, #tpu.memory_space<vmem>>, %arg1: memref<80x128xf32, #tpu.memory_space<vmem>>) attributes {dimension_semantics = [], scalar_prefetch = 0 : i64, scratch_operands = 0 : i64, tpu.core_type = #tpu.core_type<tc>} {
    %get3A = arith.constant 0 : index
    %get3A_0 = arith.constant 0 : index
    %get3A_1 = vector.load %arg0[%get3A, %get3A_0] : memref<2560x128xf32, #tpu.memory_space<vmem>>, vector<2560x128xf32>
    %reshape3A = vector.shape_cast %get3A_1 : vector<2560x128xf32> to vector<32x80x128xf32>
    %reduce_sum3A = arith.constant dense<0.000000e+00> : vector<80x128xf32>
    %reduce_sum3A_2 = vector.multi_reduction <add>, %reshape3A, %reduce_sum3A [0] : vector<32x80x128xf32> to vector<80x128xf32>
    %swap3A = arith.constant 0 : index
    %swap3A_3 = arith.constant 0 : index
    %swap3A_4 = vector.load %arg1[%swap3A, %swap3A_3] : memref<80x128xf32, #tpu.memory_space<vmem>>, vector<80x128xf32>
    tpu.vector_store %arg1[%swap3A, %swap3A_3], %reduce_sum3A_2 {strides = array<i32>} : memref<80x128xf32, #tpu.memory_space<vmem>>, vector<80x128xf32>,
    return
  }
}

module attributes {stable_mosaic.version = 14 : i64} {
  func.func @body(%arg0: i32, %arg1: memref<2000x128xf32, #tpu.memory_space<vmem>>, %arg2: memref<128x128xf32, #tpu.memory_space<vmem>>, %arg3: memref<2000x1xf32, #tpu.memory_space<vmem>>, %arg4: memref<2000x128xf32, #tpu.memory_space<vmem>>, %arg5: memref<2000x128xf32, #tpu.memory_space<vmem>>, %arg6: memref<2000x2xf32, #tpu.memory_space<vmem>>) attributes {dimension_semantics = [#tpu.dimension_semantics<arbitrary>], iteration_bounds = array<i64: 5>, scalar_prefetch = 0 : i64, scratch_operands = 0 : i64, tpu.core_type = #tpu.core_type<tc>, window_params = [{transform_indices = @transform_0, window_bounds = array<i64: 2000, 128>}, {pipeline_mode = #tpu.pipeline_mode<synchronous>, transform_indices = @transform_1, window_bounds = array<i64: 128, 128>}, {transform_indices = @transform_2, window_bounds = array<i64: 2000, 1>}, {transform_indices = @transform_3, window_bounds = array<i64: 2000, 128>}, {transform_indices = @transform_4, window_bounds = array<i64: 2000, 128>}, {transform_indices = @transform_5, window_bounds = array<i64: 2000, 2>}]} {
    %get3A = arith.constant 0 : index
    %get3A_0 = arith.constant 0 : index
    %get3A_1 = vector.load %arg3[%get3A, %get3A_0] : memref<2000x1xf32, #tpu.memory_space<vmem>>, vector<2000x1xf32>
    %add3A = arith.constant 1.000000e+00 : f32
    %add3A_2 = vector.broadcast %add3A : f32 to vector<2000x1xf32>
    %add3A_3 = arith.addf %add3A_2, %get3A_1 : vector<2000x1xf32>
    %rsqrt3A = math.rsqrt %add3A_3 : vector<2000x1xf32>
    %div3A = arith.constant 1.000000e+00 : f32
    %div3A_4 = vector.broadcast %div3A : f32 to vector<2000x1xf32>
    %div3A_5 = arith.divf %div3A_4, %add3A_3 : vector<2000x1xf32>
    %get3A_6 = arith.constant 0 : index
    %get3A_7 = arith.constant 0 : index
    %get3A_8 = vector.load %arg1[%get3A_6, %get3A_7] : memref<2000x128xf32, #tpu.memory_space<vmem>>, vector<2000x128xf32>
    %get3A_9 = arith.constant 0 : index
    %get3A_10 = arith.constant 0 : index
    %get3A_11 = vector.load %arg2[%get3A_9, %get3A_10] : memref<128x128xf32, #tpu.memory_space<vmem>>, vector<128x128xf32>
    %dot_general3A = arith.constant dense<0.000000e+00> : vector<2000x128xf32>
    %dot_general3A_12 = tpu.matmul %get3A_8, %get3A_11, %dot_general3A {dimension_numbers = #tpu.dot_dimension_numbers<[1], [0], [0], [1], [0, 0, 1, 1], [], []>, transpose_lhs_hint = false} : vector<2000x128xf32>, vector<128x128xf32>, vector<2000x128xf32> -> vector<2000x128xf32>
    %mul3A = vector.broadcast %rsqrt3A : vector<2000x1xf32> to vector<2000x128xf32>
    %mul3A_13 = arith.mulf %dot_general3A_12, %mul3A : vector<2000x128xf32>
    %swap3A = arith.constant 0 : index
    %swap3A_14 = arith.constant 0 : index
    %swap3A_15 = vector.load %arg4[%swap3A, %swap3A_14] : memref<2000x128xf32, #tpu.memory_space<vmem>>, vector<2000x128xf32>
    tpu.vector_store %arg4[%swap3A, %swap3A_14], %mul3A_13 {strides = array<i32>} : memref<2000x128xf32, #tpu.memory_space<vmem>>, vector<2000x128xf32>,
    %mul3A_16 = vector.broadcast %div3A_5 : vector<2000x1xf32> to vector<2000x128xf32>
    %mul3A_17 = arith.mulf %dot_general3A_12, %mul3A_16 : vector<2000x128xf32>
    %swap3A_18 = arith.constant 0 : index
    %swap3A_19 = arith.constant 0 : index
    %swap3A_20 = vector.load %arg5[%swap3A_18, %swap3A_19] : memref<2000x128xf32, #tpu.memory_space<vmem>>, vector<2000x128xf32>
    tpu.vector_store %arg5[%swap3A_18, %swap3A_19], %mul3A_17 {strides = array<i32>} : memref<2000x128xf32, #tpu.memory_space<vmem>>, vector<2000x128xf32>,
    %concatenate3A = tpu.concatenate %rsqrt3A, %div3A_5 in 1 : vector<2000x1xf32>, vector<2000x1xf32> -> vector<2000x2xf32>
    %swap3A_21 = arith.constant 0 : index
    %swap3A_22 = arith.constant 0 : index
    %swap3A_23 = vector.load %arg6[%swap3A_21, %swap3A_22] : memref<2000x2xf32, #tpu.memory_space<vmem>>, vector<2000x2xf32>
    tpu.vector_store %arg6[%swap3A_21, %swap3A_22], %concatenate3A {strides = array<i32>} : memref<2000x2xf32, #tpu.memory_space<vmem>>, vector<2000x2xf32>,
    return
  }
  func.func @transform_0(%arg0: i32) -> (i32, i32) {
    %c0_i32 = arith.constant 0 : i32
    %c0_i32_0 = arith.constant 0 : i32
    return %arg0, %c0_i32 : i32, i32
  }
  func.func @transform_1(%arg0: i32) -> (i32, i32) {
    %c0_i32 = arith.constant 0 : i32
    %c0_i32_0 = arith.constant 0 : i32
    %c0_i32_1 = arith.constant 0 : i32
    return %c0_i32, %c0_i32_0 : i32, i32
  }
  func.func @transform_2(%arg0: i32) -> (i32, i32) {
    %c0_i32 = arith.constant 0 : i32
    %c0_i32_0 = arith.constant 0 : i32
    return %arg0, %c0_i32 : i32, i32
  }
  func.func @transform_3(%arg0: i32) -> (i32, i32) {
    %c0_i32 = arith.constant 0 : i32
    %c0_i32_0 = arith.constant 0 : i32
    return %arg0, %c0_i32 : i32, i32
  }
  func.func @transform_4(%arg0: i32) -> (i32, i32) {
    %c0_i32 = arith.constant 0 : i32
    %c0_i32_0 = arith.constant 0 : i32
    return %arg0, %c0_i32 : i32, i32
  }
  func.func @transform_5(%arg0: i32) -> (i32, i32) {
    %c0_i32 = arith.constant 0 : i32
    %c0_i32_0 = arith.constant 0 : i32
    return %arg0, %c0_i32 : i32, i32
  }
}

module attributes {stable_mosaic.version = 14 : i64} {
  func.func @body(%arg0: i32, %arg1: memref<2000x128xf32, #tpu.memory_space<vmem>>, %arg2: memref<2000x128xf32, #tpu.memory_space<vmem>>, %arg3: memref<2000x128xf32, #tpu.memory_space<vmem>>, %arg4: memref<2000x2xf32, #tpu.memory_space<vmem>>, %arg5: memref<1x128xf32, #tpu.memory_space<vmem>>, %arg6: memref<128x128xf32, #tpu.memory_space<vmem>>, %arg7: memref<2000x128xf32, #tpu.memory_space<vmem>>, %arg8: memref<2000x128xf32, #tpu.memory_space<vmem>>) attributes {dimension_semantics = [#tpu.dimension_semantics<arbitrary>], iteration_bounds = array<i64: 5>, scalar_prefetch = 0 : i64, scratch_operands = 0 : i64, tpu.core_type = #tpu.core_type<tc>, window_params = [{transform_indices = @transform_0, window_bounds = array<i64: 2000, 128>}, {transform_indices = @transform_1, window_bounds = array<i64: 2000, 128>}, {transform_indices = @transform_2, window_bounds = array<i64: 2000, 128>}, {transform_indices = @transform_3, window_bounds = array<i64: 2000, 2>}, {pipeline_mode = #tpu.pipeline_mode<synchronous>, transform_indices = @transform_4, window_bounds = array<i64: 1, 128>}, {pipeline_mode = #tpu.pipeline_mode<synchronous>, transform_indices = @transform_5, window_bounds = array<i64: 128, 128>}, {transform_indices = @transform_6, window_bounds = array<i64: 2000, 128>}, {transform_indices = @transform_7, window_bounds = array<i64: 2000, 128>}]} {
    %get3A = arith.constant 0 : index
    %get3A_0 = arith.constant 0 : index
    %get3A_1 = vector.load %arg4[%get3A, %get3A_0] : memref<2000x2xf32, #tpu.memory_space<vmem>>, vector<2000x2xf32>
    %slice3A = vector.extract_strided_slice %get3A_1 {offsets = [0, 0], sizes = [2000, 1], strides = [1, 1]} : vector<2000x2xf32> to vector<2000x1xf32>
    %get3A_2 = arith.constant 0 : index
    %get3A_3 = arith.constant 0 : index
    %get3A_4 = vector.load %arg4[%get3A_2, %get3A_3] : memref<2000x2xf32, #tpu.memory_space<vmem>>, vector<2000x2xf32>
    %slice3A_5 = vector.extract_strided_slice %get3A_4 {offsets = [0, 1], sizes = [2000, 1], strides = [1, 1]} : vector<2000x2xf32> to vector<2000x1xf32>
    %get3A_6 = arith.constant 0 : index
    %get3A_7 = arith.constant 0 : index
    %get3A_8 = vector.load %arg1[%get3A_6, %get3A_7] : memref<2000x128xf32, #tpu.memory_space<vmem>>, vector<2000x128xf32>
    %get3A_9 = arith.constant 0 : index
    %get3A_10 = arith.constant 0 : index
    %get3A_11 = vector.load %arg2[%get3A_9, %get3A_10] : memref<2000x128xf32, #tpu.memory_space<vmem>>, vector<2000x128xf32>
    %add3A = arith.addf %get3A_8, %get3A_11 : vector<2000x128xf32>
    %mul3A = vector.broadcast %slice3A : vector<2000x1xf32> to vector<2000x128xf32>
    %mul3A_12 = arith.mulf %mul3A, %add3A : vector<2000x128xf32>
    %get3A_13 = arith.constant 0 : index
    %get3A_14 = arith.constant 0 : index
    %get3A_15 = vector.load %arg3[%get3A_13, %get3A_14] : memref<2000x128xf32, #tpu.memory_space<vmem>>, vector<2000x128xf32>
    %add3A_16 = arith.addf %mul3A_12, %get3A_15 : vector<2000x128xf32>
    %get3A_17 = arith.constant 0 : index
    %get3A_18 = arith.constant 0 : index
    %get3A_19 = vector.load %arg5[%get3A_17, %get3A_18] : memref<1x128xf32, #tpu.memory_space<vmem>>, vector<1x128xf32>
    %add3A_20 = vector.broadcast %get3A_19 : vector<1x128xf32> to vector<2000x128xf32>
    %add3A_21 = arith.addf %add3A_16, %add3A_20 : vector<2000x128xf32>
    %max3A = arith.constant 0.000000e+00 : f32
    %max3A_22 = vector.broadcast %max3A : f32 to vector<2000x128xf32>
    %max3A_23 = arith.maximumf %add3A_21, %max3A_22 : vector<2000x128xf32>
    %get3A_24 = arith.constant 0 : index
    %get3A_25 = arith.constant 0 : index
    %get3A_26 = vector.load %arg6[%get3A_24, %get3A_25] : memref<128x128xf32, #tpu.memory_space<vmem>>, vector<128x128xf32>
    %dot_general3A = arith.constant dense<0.000000e+00> : vector<2000x128xf32>
    %dot_general3A_27 = tpu.matmul %max3A_23, %get3A_26, %dot_general3A {dimension_numbers = #tpu.dot_dimension_numbers<[1], [0], [0], [1], [0, 0, 1, 1], [], []>, transpose_lhs_hint = false} : vector<2000x128xf32>, vector<128x128xf32>, vector<2000x128xf32> -> vector<2000x128xf32>
    %mul3A_28 = vector.broadcast %slice3A : vector<2000x1xf32> to vector<2000x128xf32>
    %mul3A_29 = arith.mulf %dot_general3A_27, %mul3A_28 : vector<2000x128xf32>
    %swap3A = arith.constant 0 : index
    %swap3A_30 = arith.constant 0 : index
    %swap3A_31 = vector.load %arg7[%swap3A, %swap3A_30] : memref<2000x128xf32, #tpu.memory_space<vmem>>, vector<2000x128xf32>
    tpu.vector_store %arg7[%swap3A, %swap3A_30], %mul3A_29 {strides = array<i32>} : memref<2000x128xf32, #tpu.memory_space<vmem>>, vector<2000x128xf32>,
    %mul3A_32 = vector.broadcast %slice3A_5 : vector<2000x1xf32> to vector<2000x128xf32>
    %mul3A_33 = arith.mulf %dot_general3A_27, %mul3A_32 : vector<2000x128xf32>
    %swap3A_34 = arith.constant 0 : index
    %swap3A_35 = arith.constant 0 : index
    %swap3A_36 = vector.load %arg8[%swap3A_34, %swap3A_35] : memref<2000x128xf32, #tpu.memory_space<vmem>>, vector<2000x128xf32>
    tpu.vector_store %arg8[%swap3A_34, %swap3A_35], %mul3A_33 {strides = array<i32>} : memref<2000x128xf32, #tpu.memory_space<vmem>>, vector<2000x128xf32>,
    return
  }
  func.func @transform_0(%arg0: i32) -> (i32, i32) {
    %c0_i32 = arith.constant 0 : i32
    %c0_i32_0 = arith.constant 0 : i32
    return %arg0, %c0_i32 : i32, i32
  }
  func.func @transform_1(%arg0: i32) -> (i32, i32) {
    %c0_i32 = arith.constant 0 : i32
    %c0_i32_0 = arith.constant 0 : i32
    return %arg0, %c0_i32 : i32, i32
  }
  func.func @transform_2(%arg0: i32) -> (i32, i32) {
    %c0_i32 = arith.constant 0 : i32
    %c0_i32_0 = arith.constant 0 : i32
    return %arg0, %c0_i32 : i32, i32
  }
  func.func @transform_3(%arg0: i32) -> (i32, i32) {
    %c0_i32 = arith.constant 0 : i32
    %c0_i32_0 = arith.constant 0 : i32
    return %arg0, %c0_i32 : i32, i32
  }
  func.func @transform_4(%arg0: i32) -> (i32, i32) {
    %c0_i32 = arith.constant 0 : i32
    %c0_i32_0 = arith.constant 0 : i32
    %c0_i32_1 = arith.constant 0 : i32
    return %c0_i32, %c0_i32_0 : i32, i32
  }
  func.func @transform_5(%arg0: i32) -> (i32, i32) {
    %c0_i32 = arith.constant 0 : i32
    %c0_i32_0 = arith.constant 0 : i32
    %c0_i32_1 = arith.constant 0 : i32
    return %c0_i32, %c0_i32_0 : i32, i32
  }
  func.func @transform_6(%arg0: i32) -> (i32, i32) {
    %c0_i32 = arith.constant 0 : i32
    %c0_i32_0 = arith.constant 0 : i32
    return %arg0, %c0_i32 : i32, i32
  }
  func.func @transform_7(%arg0: i32) -> (i32, i32) {
    %c0_i32 = arith.constant 0 : i32
    %c0_i32_0 = arith.constant 0 : i32
    return %arg0, %c0_i32 : i32, i32
  }
}

module attributes {stable_mosaic.version = 14 : i64} {
  func.func @body(%arg0: i32, %arg1: memref<2000x128xf32, #tpu.memory_space<vmem>>, %arg2: memref<2000x128xf32, #tpu.memory_space<vmem>>, %arg3: memref<2000x128xf32, #tpu.memory_space<vmem>>, %arg4: memref<2000x2xf32, #tpu.memory_space<vmem>>, %arg5: memref<1x128xf32, #tpu.memory_space<vmem>>, %arg6: memref<128x64xf32, #tpu.memory_space<vmem>>, %arg7: memref<1x64xf32, #tpu.memory_space<vmem>>, %arg8: memref<2000x128xf32, #tpu.memory_space<vmem>>, %arg9: memref<10000x64xf32, #tpu.memory_space<vmem>>, %arg10: memref<10000x64xf32, #tpu.memory_space<vmem>>, %arg11: memref<1x2xf32, #tpu.memory_space<smem>>) attributes {dimension_semantics = [#tpu.dimension_semantics<arbitrary>], iteration_bounds = array<i64: 6>, scalar_prefetch = 0 : i64, scratch_operands = 2 : i64, tpu.core_type = #tpu.core_type<tc>, window_params = [{transform_indices = @transform_0, window_bounds = array<i64: 2000, 128>}, {transform_indices = @transform_1, window_bounds = array<i64: 2000, 128>}, {transform_indices = @transform_2, window_bounds = array<i64: 2000, 128>}, {transform_indices = @transform_3, window_bounds = array<i64: 2000, 2>}, {pipeline_mode = #tpu.pipeline_mode<synchronous>, transform_indices = @transform_4, window_bounds = array<i64: 1, 128>}, {pipeline_mode = #tpu.pipeline_mode<synchronous>, transform_indices = @transform_5, window_bounds = array<i64: 128, 64>}, {pipeline_mode = #tpu.pipeline_mode<synchronous>, transform_indices = @transform_6, window_bounds = array<i64: 1, 64>}, {transform_indices = @transform_7, window_bounds = array<i64: 2000, 128>}, {pipeline_mode = #tpu.pipeline_mode<synchronous>, transform_indices = @transform_8, window_bounds = array<i64: 10000, 64>}]} {
    %lt3A = arith.constant 5 : i32
    %lt3A_0 = arith.cmpi slt, %arg0, %lt3A : i32
    %convert_element_type3A = arith.extui %lt3A_0 : i1 to i32
    %cond3A = arith.constant 0 : i32
    %cond3A_1 = arith.cmpi ne, %convert_element_type3A, %cond3A : i32
    scf.if %cond3A_1 {
      %get3A = arith.constant 0 : index
      %get3A_6 = arith.constant 0 : index
      %get3A_7 = vector.load %arg4[%get3A, %get3A_6] : memref<2000x2xf32, #tpu.memory_space<vmem>>, vector<2000x2xf32>
      %slice3A = vector.extract_strided_slice %get3A_7 {offsets = [0, 0], sizes = [2000, 1], strides = [1, 1]} : vector<2000x2xf32> to vector<2000x1xf32>
      %get3A_8 = arith.constant 0 : index
      %get3A_9 = arith.constant 0 : index
      %get3A_10 = vector.load %arg1[%get3A_8, %get3A_9] : memref<2000x128xf32, #tpu.memory_space<vmem>>, vector<2000x128xf32>
      %get3A_11 = arith.constant 0 : index
      %get3A_12 = arith.constant 0 : index
      %get3A_13 = vector.load %arg2[%get3A_11, %get3A_12] : memref<2000x128xf32, #tpu.memory_space<vmem>>, vector<2000x128xf32>
      %add3A = arith.addf %get3A_10, %get3A_13 : vector<2000x128xf32>
      %mul3A = vector.broadcast %slice3A : vector<2000x1xf32> to vector<2000x128xf32>
      %mul3A_14 = arith.mulf %mul3A, %add3A : vector<2000x128xf32>
      %get3A_15 = arith.constant 0 : index
      %get3A_16 = arith.constant 0 : index
      %get3A_17 = vector.load %arg3[%get3A_15, %get3A_16] : memref<2000x128xf32, #tpu.memory_space<vmem>>, vector<2000x128xf32>
      %add3A_18 = arith.addf %mul3A_14, %get3A_17 : vector<2000x128xf32>
      %get3A_19 = arith.constant 0 : index
      %get3A_20 = arith.constant 0 : index
      %get3A_21 = vector.load %arg5[%get3A_19, %get3A_20] : memref<1x128xf32, #tpu.memory_space<vmem>>, vector<1x128xf32>
      %add3A_22 = vector.broadcast %get3A_21 : vector<1x128xf32> to vector<2000x128xf32>
      %add3A_23 = arith.addf %add3A_18, %add3A_22 : vector<2000x128xf32>
      %max3A = arith.constant 0.000000e+00 : f32
      %max3A_24 = vector.broadcast %max3A : f32 to vector<2000x128xf32>
      %max3A_25 = arith.maximumf %add3A_23, %max3A_24 : vector<2000x128xf32>
      %swap3A = arith.constant 0 : index
      %swap3A_26 = arith.constant 0 : index
      %swap3A_27 = vector.load %arg8[%swap3A, %swap3A_26] : memref<2000x128xf32, #tpu.memory_space<vmem>>, vector<2000x128xf32>
      tpu.vector_store %arg8[%swap3A, %swap3A_26], %max3A_25 {strides = array<i32>} : memref<2000x128xf32, #tpu.memory_space<vmem>>, vector<2000x128xf32>,
      %get3A_28 = arith.constant 0 : index
      %get3A_29 = arith.constant 0 : index
      %get3A_30 = vector.load %arg6[%get3A_28, %get3A_29] : memref<128x64xf32, #tpu.memory_space<vmem>>, vector<128x64xf32>
      %dot_general3A = arith.constant dense<0.000000e+00> : vector<2000x64xf32>
      %dot_general3A_31 = tpu.matmul %max3A_25, %get3A_30, %dot_general3A {dimension_numbers = #tpu.dot_dimension_numbers<[1], [0], [0], [1], [0, 0, 1, 1], [], []>, transpose_lhs_hint = false} : vector<2000x128xf32>, vector<128x64xf32>, vector<2000x64xf32> -> vector<2000x64xf32>
      %get3A_32 = arith.constant 0 : index
      %get3A_33 = arith.constant 0 : index
      %get3A_34 = vector.load %arg7[%get3A_32, %get3A_33] : memref<1x64xf32, #tpu.memory_space<vmem>>, vector<1x64xf32>
      %add3A_35 = vector.broadcast %get3A_34 : vector<1x64xf32> to vector<2000x64xf32>
      %add3A_36 = arith.addf %dot_general3A_31, %add3A_35 : vector<2000x64xf32>
      %logistic3A = arith.negf %add3A_36 : vector<2000x64xf32>
      %logistic3A_37 = math.exp %logistic3A : vector<2000x64xf32>
      %logistic3A_38 = arith.constant 1.000000e+00 : f32
      %logistic3A_39 = vector.broadcast %logistic3A_38 : f32 to vector<2000x64xf32>
      %logistic3A_40 = arith.addf %logistic3A_39, %logistic3A_37 : vector<2000x64xf32>
      %logistic3A_41 = arith.divf %logistic3A_39, %logistic3A_40 : vector<2000x64xf32>
      %mul3A_42 = arith.constant 2000 : i32
      %mul3A_43 = arith.muli %arg0, %mul3A_42 : i32
      %swap3A_44 = arith.index_cast %mul3A_43 : i32 to index
      %swap3A_45 = arith.constant 0 : index
      %swap3A_46 = vector.load %arg10[%swap3A_44, %swap3A_45] : memref<10000x64xf32, #tpu.memory_space<vmem>>, vector<2000x64xf32>
      tpu.vector_store %arg10[%swap3A_44, %swap3A_45], %logistic3A_41 {strides = array<i32>} : memref<10000x64xf32, #tpu.memory_space<vmem>>, vector<2000x64xf32>,
      %reduce_min3A = vector.shape_cast %logistic3A_41 : vector<2000x64xf32> to vector<1x2000x64xf32>
      %reduce_min3A_47 = arith.constant dense<0x7F800000> : vector<1xf32>
      %reduce_min3A_48 = vector.multi_reduction <minimumf>, %reduce_min3A, %reduce_min3A_47 [1, 2] : vector<1x2000x64xf32> to vector<1xf32>
      %reduce_min3A_49 = vector.shape_cast %reduce_min3A_48 : vector<1xf32> to vector<1x1x1xf32>
      %reduce_min3A_50 = vector.extract %reduce_min3A_49[0, 0, 0] : f32 from vector<1x1x1xf32>
      %reduce_max3A = vector.shape_cast %logistic3A_41 : vector<2000x64xf32> to vector<1x2000x64xf32>
      %reduce_max3A_51 = arith.constant dense<0xFF800000> : vector<1xf32>
      %reduce_max3A_52 = vector.multi_reduction <maximumf>, %reduce_max3A, %reduce_max3A_51 [1, 2] : vector<1x2000x64xf32> to vector<1xf32>
      %reduce_max3A_53 = vector.shape_cast %reduce_max3A_52 : vector<1xf32> to vector<1x1x1xf32>
      %reduce_max3A_54 = vector.extract %reduce_max3A_53[0, 0, 0] : f32 from vector<1x1x1xf32>
      %eq3A_55 = arith.constant 0 : i32
      %eq3A_56 = arith.cmpi eq, %arg0, %eq3A_55 : i32
      %convert_element_type3A_57 = arith.extui %eq3A_56 : i1 to i32
      %cond3A_58 = arith.constant 0 : i32
      %cond3A_59 = arith.cmpi ne, %convert_element_type3A_57, %cond3A_58 : i32
      scf.if %cond3A_59 {
        %swap3A_64 = arith.constant 0 : index
        %swap3A_65 = arith.constant 0 : index
        %swap3A_66 = memref.load %arg11[%swap3A_64, %swap3A_65] : memref<1x2xf32, #tpu.memory_space<smem>>
        memref.store %reduce_min3A_50, %arg11[%swap3A_64, %swap3A_65] : memref<1x2xf32, #tpu.memory_space<smem>>
        %swap3A_67 = arith.constant 0 : index
        %swap3A_68 = arith.constant 1 : index
        %swap3A_69 = memref.load %arg11[%swap3A_67, %swap3A_68] : memref<1x2xf32, #tpu.memory_space<smem>>
        memref.store %reduce_max3A_54, %arg11[%swap3A_67, %swap3A_68] : memref<1x2xf32, #tpu.memory_space<smem>>
      } else {
      }
      %gt3A = arith.constant 0 : i32
      %gt3A_60 = arith.cmpi sgt, %arg0, %gt3A : i32
      %convert_element_type3A_61 = arith.extui %gt3A_60 : i1 to i32
      %cond3A_62 = arith.constant 0 : i32
      %cond3A_63 = arith.cmpi ne, %convert_element_type3A_61, %cond3A_62 : i32
      scf.if %cond3A_63 {
        %get3A_64 = arith.constant 0 : index
        %get3A_65 = arith.constant 0 : index
        %get3A_66 = memref.load %arg11[%get3A_64, %get3A_65] : memref<1x2xf32, #tpu.memory_space<smem>>
        %min3A = arith.minimumf %get3A_66, %reduce_min3A_50 : f32
        %swap3A_67 = arith.constant 0 : index
        %swap3A_68 = arith.constant 0 : index
        %swap3A_69 = memref.load %arg11[%swap3A_67, %swap3A_68] : memref<1x2xf32, #tpu.memory_space<smem>>
        memref.store %min3A, %arg11[%swap3A_67, %swap3A_68] : memref<1x2xf32, #tpu.memory_space<smem>>
        %get3A_70 = arith.constant 0 : index
        %get3A_71 = arith.constant 1 : index
        %get3A_72 = memref.load %arg11[%get3A_70, %get3A_71] : memref<1x2xf32, #tpu.memory_space<smem>>
        %max3A_73 = arith.maximumf %get3A_72, %reduce_max3A_54 : f32
        %swap3A_74 = arith.constant 0 : index
        %swap3A_75 = arith.constant 1 : index
        %swap3A_76 = memref.load %arg11[%swap3A_74, %swap3A_75] : memref<1x2xf32, #tpu.memory_space<smem>>
        memref.store %max3A_73, %arg11[%swap3A_74, %swap3A_75] : memref<1x2xf32, #tpu.memory_space<smem>>
      } else {
      }
    } else {
    }
    %eq3A = arith.constant 5 : i32
    %eq3A_2 = arith.cmpi eq, %arg0, %eq3A : i32
    %convert_element_type3A_3 = arith.extui %eq3A_2 : i1 to i32
    %cond3A_4 = arith.constant 0 : i32
    %cond3A_5 = arith.cmpi ne, %convert_element_type3A_3, %cond3A_4 : i32
    scf.if %cond3A_5 {
      %get3A = arith.constant 0 : index
      %get3A_6 = arith.constant 0 : index
      %get3A_7 = memref.load %arg11[%get3A, %get3A_6] : memref<1x2xf32, #tpu.memory_space<smem>>
      %get3A_8 = arith.constant 0 : index
      %get3A_9 = arith.constant 1 : index
      %get3A_10 = memref.load %arg11[%get3A_8, %get3A_9] : memref<1x2xf32, #tpu.memory_space<smem>>
      %get3A_11 = arith.constant 0 : index
      %get3A_12 = arith.constant 0 : index
      %get3A_13 = vector.load %arg10[%get3A_11, %get3A_12] : memref<10000x64xf32, #tpu.memory_space<vmem>>, vector<10000x64xf32>
      %sub3A = vector.broadcast %get3A_7 : f32 to vector<10000x64xf32>
      %sub3A_14 = arith.subf %get3A_13, %sub3A : vector<10000x64xf32>
      %sub3A_15 = arith.subf %get3A_10, %get3A_7 : f32
      %div3A = vector.broadcast %sub3A_15 : f32 to vector<10000x64xf32>
      %div3A_16 = arith.divf %sub3A_14, %div3A : vector<10000x64xf32>
      %swap3A = arith.constant 0 : index
      %swap3A_17 = arith.constant 0 : index
      %swap3A_18 = vector.load %arg9[%swap3A, %swap3A_17] : memref<10000x64xf32, #tpu.memory_space<vmem>>, vector<10000x64xf32>
      tpu.vector_store %arg9[%swap3A, %swap3A_17], %div3A_16 {strides = array<i32>} : memref<10000x64xf32, #tpu.memory_space<vmem>>, vector<10000x64xf32>,
    } else {
    }
    return
  }
  func.func @transform_0(%arg0: i32) -> (i32, i32) {
    %min3A = arith.constant 4 : i32
    %min3A_0 = arith.minsi %arg0, %min3A : i32
    %c0_i32 = arith.constant 0 : i32
    %c0_i32_1 = arith.constant 0 : i32
    return %min3A_0, %c0_i32 : i32, i32
  }
  func.func @transform_1(%arg0: i32) -> (i32, i32) {
    %min3A = arith.constant 4 : i32
    %min3A_0 = arith.minsi %arg0, %min3A : i32
    %c0_i32 = arith.constant 0 : i32
    %c0_i32_1 = arith.constant 0 : i32
    return %min3A_0, %c0_i32 : i32, i32
  }
  func.func @transform_2(%arg0: i32) -> (i32, i32) {
    %min3A = arith.constant 4 : i32
    %min3A_0 = arith.minsi %arg0, %min3A : i32
    %c0_i32 = arith.constant 0 : i32
    %c0_i32_1 = arith.constant 0 : i32
    return %min3A_0, %c0_i32 : i32, i32
  }
  func.func @transform_3(%arg0: i32) -> (i32, i32) {
    %min3A = arith.constant 4 : i32
    %min3A_0 = arith.minsi %arg0, %min3A : i32
    %c0_i32 = arith.constant 0 : i32
    %c0_i32_1 = arith.constant 0 : i32
    return %min3A_0, %c0_i32 : i32, i32
  }
  func.func @transform_4(%arg0: i32) -> (i32, i32) {
    %c0_i32 = arith.constant 0 : i32
    %c0_i32_0 = arith.constant 0 : i32
    %c0_i32_1 = arith.constant 0 : i32
    return %c0_i32, %c0_i32_0 : i32, i32
  }
  func.func @transform_5(%arg0: i32) -> (i32, i32) {
    %c0_i32 = arith.constant 0 : i32
    %c0_i32_0 = arith.constant 0 : i32
    %c0_i32_1 = arith.constant 0 : i32
    return %c0_i32, %c0_i32_0 : i32, i32
  }
  func.func @transform_6(%arg0: i32) -> (i32, i32) {
    %c0_i32 = arith.constant 0 : i32
    %c0_i32_0 = arith.constant 0 : i32
    %c0_i32_1 = arith.constant 0 : i32
    return %c0_i32, %c0_i32_0 : i32, i32
  }
  func.func @transform_7(%arg0: i32) -> (i32, i32) {
    %min3A = arith.constant 4 : i32
    %min3A_0 = arith.minsi %arg0, %min3A : i32
    %c0_i32 = arith.constant 0 : i32
    %c0_i32_1 = arith.constant 0 : i32
    return %min3A_0, %c0_i32 : i32, i32
  }
  func.func @transform_8(%arg0: i32) -> (i32, i32) {
    %c0_i32 = arith.constant 0 : i32
    %c0_i32_0 = arith.constant 0 : i32
    %c0_i32_1 = arith.constant 0 : i32
    return %c0_i32, %c0_i32_0 : i32, i32
  }
}

</mosaic_0001>

<sc_bundles>
// kernel: kernel.12.cloned.1.call-start
scs
__scs_entry_jumppad:
0x0: {  	(pc) =	sbr.rel $0x88, $3  }
0x1: {  	(tag) =	ssettag $0x0;
	lr =	simm.s32 $0x1  }
0x2: {  	[smem:$0x3F99] =	sst lr;
	_ =	strace $0xD0000000  }
0x3: {  	_ = 	snop  }
0x4: {  	_ = 	snop  }
0x5: {  	_ = 	snop  }
0x6: {  	_ = 	snop  }
0x7: {  	_ = 	snop  }
__scs_overlays_trampoline_lowered:
0x8: {  	[smem:$0x3FA8] =	sst s0  }
0x9: {  	[smem:$0x3FA9] =	sst s1  }
0xa: {  	[smem:$0x3FAA] =	sst s2  }
0xb: {  	[smem:$0x3FAB] =	sst s3  }
0xc: {  	[smem:$0x3FAC] =	sst s4  }
0xd: {  	[smem:$0x3FAD] =	sst s5  }
0xe: {  	[smem:$0x3FAE] =	sst s6  }
0xf: {  	[smem:$0x3FAF] =	sst s7  }
0x10: {  	[smem:$0x3FB0] =	sst s8  }
0x11: {  	[smem:$0x3FB1] =	sst s9;
	s0 =	simm.s32 @!p0 $0x0  }
0x12: {  	s1 =	sld [smem:$0x3F97];
	s0 =	simm.s32 @p0 $0x1  }
0x13: {  	[smem:$0x3FB2] =	sst s0;
	s0 =	simm.s32 @!p1 $0x0  }
0x14: {  	s2 =	sld [smem:$0x3F96];
	s0 =	simm.s32 @p1 $0x1  }
0x15: {  	[smem:$0x3FB3] =	sst s0;
	s0 =	simm.s32 @!p2 $0x0  }
0x16: {  	s3 =	sld [smem:$0x3FDB];
	s0 =	simm.s32 @p2 $0x1  }
0x17: {  	s4 =	simm.s32 $0x1BF5;
	[smem:$0x3FB5] =	sst s0  }
0x18: {  	s0 =	sld [smem:$0x3F98];
	_ =	swait.ge [sflag:s4], $0x0  }
0x19: {  	s7 =	sld [smem:$0x3F99]  }
0x1a: {  	s8 =	sadd.s32 $0xFFFFE003, lr  }
0x1b: {  	s9 =	sadd.s32 $0xFFFFFEF7, lr;
	s5 =	simm.s32 $0xFFFFFFFF;
	p2 =	slt.u32 s8, $0xFFFFF086  }
0x1c: {  	p1 =	slt.u32 s9, $0xF7A;
	s5 =	simm.s32 @!p2 $0x0  }
0x1d: {  	s5 =	simm.s32 @p1 $0x1;
	p0 =	seq.s32 s7, s2  }
0x1e: {  	s7 =	smul.u32 @!p0 $0xF7A, s2;
	p2 =	seq.s32 @!p0 s5, $0x0  }
0x1f: {  	s9 =	smul.u32 $0xF7A, s1;
	s8 =	simm.s32 @!p0 $0x1BF5;
	p2 =	por !p2, p0  }
0x20: {  	[sflag:s8] =	ssyncset.s32 @!p0 $0xFFFFF086;
	s6 =	sadd.s32 @!p0 s3, s7;
	s7 =	simm.s32 @!p0 $0x108  }
0x21: {  	s3 =	sadd.s32 s3, s9;
	s6 =	sadd.s32 @!p0 $0x88, s6;
	s7 =	simm.s32 @p2 $0x1082  }
0x22: {  	[simem:s7], [sflag:s8] =	dma.local @!p0 [hbm:s6], $0xF7A  }
0x23: {  	s9 =	sor.u32 $0xD0000000, s2;
	s6 =	simm.s32 $0x108;
	_ =	swait.ge @!p0 [sflag:s8], $0x0  }
0x24: {  	s3 =	sadd.s32 $0x88, s3;
	s6 =	simm.s32 @!p1 $0x1082;
	[sflag:s4] =	ssyncset.s32 $0xFFFFF086  }
0x25: {  	[simem:s6], [sflag:s4] =	dma.local [hbm:s3], $0xF7A  }
0x26: {  	[smem:$0x3F99] =	sst s1;
	(tag) =	ssettag s2;
	_ =	strace s9  }
0x27: {  	s1 =	sld [smem:$0x3FA9]  }
0x28: {  	s2 =	sld [smem:$0x3FAA]  }
0x29: {  	s4 =	sld [smem:$0x3FAC]  }
0x2a: {  	p0 =	seq.s32 s5, $0x0;
	s5 =	sld [smem:$0x3FAD]  }
0x2b: {  	s6 =	sld [smem:$0x3FAE]  }
0x2c: {  	s7 =	sld [smem:$0x3FAF]  }
0x2d: {  	s3 =	simm.s32 $0x108;
	s8 =	sld [smem:$0x3FB0]  }
0x2e: {  	s3 =	simm.s32 @!p0 $0x1082;
	s9 =	sld [smem:$0x3FB1]  }
0x2f: {  	lr =	sadd.s32 s0, s3;
	s0 =	sld [smem:$0x3FA8]  }
0x30: {  	s3 =	sld [smem:$0x3FAB]  }
0x31: {  	[smem:$0x3FB4] =	sst s10  }
0x32: {  	s10 =	sld [smem:$0x3FB2];
	_ =	sdelay $0x3  }
0x33: {  	p0 =	seq.s32 s10, $0x1;
	s10 =	sld [smem:$0x3FB4];
	_ =	sdelay $0x3  }
0x34: {  	[smem:$0x3FB4] =	sst s10  }
0x35: {  	s10 =	sld [smem:$0x3FB3];
	_ =	sdelay $0x3  }
0x36: {  	p1 =	seq.s32 s10, $0x1;
	s10 =	sld [smem:$0x3FB4];
	_ =	sdelay $0x3  }
0x37: {  	[smem:$0x3FB4] =	sst s10  }
0x38: {  	s10 =	sld [smem:$0x3FB5]  }
0x39: {  	_ = 	snop;
	(pc) =	sbr.ind lr, $3  }
0x3a: {  	_ = 	snop  }
0x3b: {  	_ = 	snop  }
0x3c: {  	p2 =	seq.s32 s10, $0x1;
	s10 =	sld [smem:$0x3FB4]  }
0x3d: {  	_ =	shalt  }
0x3e: {  	_ =	shalt  }
0x3f: {  	_ =	shalt  }
0x40: {  	_ =	shalt  }
0x41: {  	_ =	shalt  }
0x42: {  	_ =	shalt  }
0x43: {  	_ =	shalt  }
0x44: {  	_ =	shalt  }
0x45: {  	_ =	shalt  }
0x46: {  	_ =	shalt  }
0x47: {  	_ =	shalt  }
0x48: {  	_ =	shalt  }
0x49: {  	_ =	shalt  }
0x4a: {  	_ =	shalt  }
0x4b: {  	_ =	shalt  }
0x4c: {  	_ =	shalt  }
0x4d: {  	_ =	shalt  }
0x4e: {  	_ =	shalt  }
0x4f: {  	_ =	shalt  }
0x50: {  	_ =	shalt  }
0x51: {  	_ =	shalt  }
0x52: {  	_ =	shalt  }
0x53: {  	_ =	shalt  }
0x54: {  	_ =	shalt  }
0x55: {  	_ =	shalt  }
0x56: {  	_ =	shalt  }
0x57: {  	_ =	shalt  }
0x58: {  	_ =	shalt  }
0x59: {  	_ =	shalt  }
0x5a: {  	_ =	shalt  }
0x5b: {  	_ =	shalt  }
0x5c: {  	_ =	shalt  }
0x5d: {  	_ =	shalt  }
0x5e: {  	_ =	shalt  }
0x5f: {  	_ =	shalt  }
0x60: {  	_ =	shalt  }
0x61: {  	_ =	shalt  }
0x62: {  	_ =	shalt  }
0x63: {  	_ =	shalt  }
0x64: {  	_ =	shalt  }
0x65: {  	_ =	shalt  }
0x66: {  	_ =	shalt  }
0x67: {  	_ =	shalt  }
0x68: {  	_ =	shalt  }
0x69: {  	_ =	shalt  }
0x6a: {  	_ =	shalt  }
0x6b: {  	_ =	shalt  }
0x6c: {  	_ =	shalt  }
0x6d: {  	_ =	shalt  }
0x6e: {  	_ =	shalt  }
0x6f: {  	_ =	shalt  }
0x70: {  	_ =	shalt  }
0x71: {  	_ =	shalt  }
0x72: {  	_ =	shalt  }
0x73: {  	_ =	shalt  }
0x74: {  	_ =	shalt  }
0x75: {  	_ =	shalt  }
0x76: {  	_ =	shalt  }
0x77: {  	_ =	shalt  }
0x78: {  	_ =	shalt  }
0x79: {  	_ =	shalt  }
0x7a: {  	_ =	shalt  }
0x7b: {  	_ =	shalt  }
0x7c: {  	_ =	shalt  }
0x7d: {  	_ =	shalt  }
0x7e: {  	_ =	shalt  }
0x7f: {  	_ =	shalt  }
0x80: {  	_ =	shalt  }
0x81: {  	_ =	shalt  }
0x82: {  	_ =	shalt  }
0x83: {  	_ =	shalt  }
0x84: {  	_ =	shalt  }
0x85: {  	_ =	shalt  }
0x86: {  	_ =	shalt  }
0x87: {  	_ =	shalt  }
.Lfunc_end0:
.L_simem_size_0:
called_computation.1_lowered:
.L_overlay_start_0:
0x88: {  	s2 =	sld [smem:$0x3FD9]  }
0x89: {  	s3 =	sld [smem:$0x3FFE];
	_ =	sdelay $0x1  }
0x8a: {  	s1 =	srdreg.scid  }
0x8b: {  	s0 =	sand.u32 $0x1, s1  }
0x8c: {  	s14 =	sshll.u32 s0, $0xA;
	s2 =	sadd.s32 s3, s2  }
0x8d: {  	s2 =	sadd.s32 s2, s14  }
0x8e: {  	[smem:$0x3FC0] =	sst s2  }
0x8f: {  	_ = 	snop  }
0x90: {  	s2 =	sld [smem:$0x3FD0];
	_ =	sdelay $0x2  }
0x91: {  	s15 =	simm.s32 $0xA;
	s4 =	simm.s32 $0x10  }
0x92: {  	[smem:s4], [sflag:s15] =	dma.local [hbm:s2], $0x1  }
0x93: {  	_ =	swait.eq [sflag:s15], $0x1  }
0x94: {  	[sflag:s15] =	ssyncset.done $0x0  }
0x95: {  	[sflag:s15] =	ssyncadd.s32 $0xFFFFFFFF  }
0x96: {  	s16 =	sld [smem:$0x10];
	(tm) =	ssettm $0x1  }
0x97: {  	s17 =	sld [smem:$0x3FFB];
	_ =	sdelay $0x3  }
0x98: {  	_ =	strace s17  }
0x99: {  	s3 =	sld [smem:$0x3FFC];
	_ =	sdelay $0x3  }
0x9a: {  	_ =	strace s3  }
0x9b: {  	s3 =	sld [smem:$0x3FFD];
	_ =	sdelay $0x3  }
0x9c: {  	_ =	strace s3  }
0x9d: {  	_ =	strace $0x8FFFFFFF  }
0x9e: {  	s18 =	sld [smem:$0x3FDB];
	_ =	sdelay $0x1  }
0x9f: {  	s19 =	simm.s32 $_scs_section_size  }
0xa0: {  	s5 =	simm.s32 $_size__tile_overlayer_lowered;
	s6 =	simm.s32 $_tile_overlayer_lowered  }
0xa1: {  	s22 =	simm.s32 $0x1BFF;
	s21 =	sshll.u32 s6, $0x1;
	s3 =	sadd.s32 s19, s18  }
0xa2: {  	s7 =	simm.s32 $0x0;
	s20 =	sshll.u32 s5, $0x1;
	s5 =	sadd.s32 s21, s3  }
0xa3: {  	[timem:s7], [sflag:s22] =	dma.local [hbm:s5], s20  }
0xa4: {  	_ =	swait.ge [sflag:s22], s20  }
0xa5: {  	s4 =	ssub.s32 $0x0, s20;
	[sflag:s22] =	ssyncset.done $0x0  }
0xa6: {  	[sflag:s22] =	ssyncadd.s32 s4;
	_ =	sdelay $0x1  }
0xa7: {  	s23 =	simm.s32 $0x1B8B  }
0xa8: {  	_ =	swait.ge [sflag:s23], $0x1  }
0xa9: {  	[sflag:s23] =	ssyncset.done $0x0  }
0xaa: {  	s25 =	simm.s32 $0x1B8E;
	s24 =	sld [smem:$0x3FFE];
	[sflag:s23] =	ssyncadd.s32 $0xFFFFFFFF  }
0xab: {  	s26 =	simm.s32 $execute0_lowered;
	[smem:$0x3FD2] =	sst s25  }
0xac: {  	s5 =	sshll.u32 s26, $0x1;
	_ =	strace $0x80000049;
	[dreg:$0x1] =	wrdreg $0xFFFFFFFF  }
0xad: {  	s28 =	simm.s32 $_size_execute0_lowered;
	s3 =	sadd.s32 s3, s5;
	[dreg:$0x0] =	wrdreg $0x0  }
0xae: {  	s5 =	sshll.u32 s28, $0x1;
	[dreg:$0x2] =	wrdreg s3  }
0xaf: {  	[dreg:$0x3] =	wrdreg s5  }
0xb0: {  	[dreg:$0x4] =	wrdreg $0xC0  }
0xb1: {  	_ =	task [dreg:s7], $0x5FFFF  }
0xb2: {  	[dreg:$0x1] =	wrdreg $0xFFFFFFFF  }
0xb3: {  	[dreg:$0x0] =	wrdreg $0x60  }
0xb4: {  	[dreg:$0x2] =	wrdreg s16  }
0xb5: {  	[dreg:$0x3] =	wrdreg s24  }
0xb6: {  	[dreg:$0x4] =	wrdreg $0xA8000  }
0xb7: {  	[dreg:$0x5] =	wrdreg $0x9  }
0xb8: {  	_ =	task.clear_ibuf [dreg:s7], $0x6FFFF;
	_ =	strace $0x90000049  }
0xb9: {  	s29 =	simm.s32 $0x9;
	_ =	strace $0x8000004B  }
0xba: {  	_ =	swait.ge [sflag:s29], $0x1  }
0xbb: {  	[sflag:s29] =	ssyncadd.s32 $0xFFFFFFFF  }
0xbc: {  	_ =	strace $0x9000004B  }
0xbd: {  	_ =	sfence  }
0xbe: {  	s30 =	sld [smem:$0x0];
	_ =	sdelay $0x2  }
0xbf: {  	s31 =	sshll.u32 s1, $0xD;
	s1 =	sshrl.u32 s1, $0x2  }
0xc0: {  	s3 =	sand.u32 $0x4000, s31;
	s1 =	sadd.s32 s1, s30  }
0xc1: {  	s0 =	sor.u32 s3, s0;
	s1 =	sshll.u32 s1, $0x11  }
0xc2: {  	s0 =	sor.u32 s1, s0  }
0xc3: {  	s0 =	sadd.s32 $0x8F2B, s0  }
0xc4: {  	[sflag:s0] =	ssyncadd.remote.s32 $0x1  }
0xc5: {  	_ =	sfence.sel $0xFFFF  }
0xc6: {  	[dreg:$0x0] =	wrdreg $0xFFFFFFFF;
	(pc) =	sbr.abs _section_cstart, $3  }
0xc7: {  	[dreg:$0x1] =	wrdreg $0xFFFFFFFF  }
0xc8: {  	_ =	task.clear_ibuf [dreg:s7], $0x2FFFF;
	_ =	strace $0x9FFFFFFF  }
0xc9: {  	(tm) =	ssettm $0x7FFFFFFF  }
tec
execute0_lowered:
.L_overlay_start_1:
0x0: {  	(tag) =	ssettag $0x1  }
0x1: {  	s1 =	rddreg [dreg:$0x0]  }
0x2: {  	s5 =	rddreg [dreg:$0x1]  }
0x3: {  	s3 =	rddreg [dreg:$0x2]  }
0x4: {  	s0 =	rddreg [dreg:$0x3];
	s4 =	simm.s32 $0x0;
	s2 =	stileid.u32  }
0x5: {  	s6 =	srdreg.scid;
	s15 =	simm.s32 $0x1400;
	s16 =	simm.s32 $0x7D  }
0x6: {  	s17 =	simm.s32 $0x2800;
	s18 =	simm.s32 $0x80;
	s19 =	simm.s32 $0x6800  }
0x7: {  	s20 =	simm.s32 $0x1;
	s21 =	simm.s32 $0x2;
	s22 =	simm.s32 $0x2700  }
0x8: {  	s23 =	simm.s32 $0x2780;
	s24 =	simm.s32 $0x0;
	[smem:$0x7FF] =	sst s4  }
0x9: {  	s7 =	smul.u32 $0x2780, s2;
	s6 =	sand.u32 $0x1, s6;
	s11 =	sadd.s32 $0x16A00, s5  }
0xa: {  	s12 =	sadd.s32 $0xCA00, s5;
	s10 =	smul.u32 $0x4F000, s2;
	s30 =	sshll.u32 s2, $0x6  }
0xb: {  	_ =	strace $0x8000004A;
	s8 =	smul.u32 $0x27800, s6;
	s25 =	ssub.s32 $0x2, s6  }
0xc: {  	s6 =	sshll.u32 s6, $0x4;
	s9 =	sadd.s32 s7, s5;
	s26 =	sshrl.u32 s25, $0x1  }
0xd: {  	s28 =	sor.u32 s2, s6;
	s29 =	sshrl.u32 s10, $0x2;
	s6 =	sor.u32 $0x1C03, s30  }
0xe: {  	s7 =	sadd.s32 s7, s8;
	s8 =	ssub.s32 s25, s26;
	s13 =	sadd.s32 s29, s3  }
0xf: {  	s31 =	smul.u32 $0x500, s28;
	s7 =	sadd.s32 s7, s5;
	s5 =	sadd.s32 $0x6EE00, s9  }
0x10: {  	s8 =	smax.u32 s8, $0x1;
	s13 =	sshrl.u32 s13, $0x3;
	s7 =	sadd.s32 $0x96600, s7  }
0x11: {  	s9 =	sadd.s32 s11, s31;
	s14 =	sadd.s32 $0x280, s31;
	s10 =	sadd.s32 s12, s31  }
0x12: {  	s11 =	sadd.s32 s11, s14;
	s12 =	sadd.s32 s12, s14;
	s14 =	simm.s32 $0x3  }
.LBB2_1:
0x13: {  	[spmem:s13], [sflag:s6] =	dma.local [hbm:s5], $0x2780  }
0x14: {  	_ =	swait.ge [sflag:s14], $0x2780  }
0x15: {  	[sflag:s14] =	ssyncset.done $0x0  }
0x16: {  	[sflag:s14] =	ssyncadd.s32 $0xFFFFD880  }
0x17: {  	[bflag:$0x0] =	sbarrier.arrive $0xFFFF  }
0x18: {  	[tilespmem:s4], [sflag:$0x3] =	stream.linear.gather [hbm4b:s9+s4], $0x1400, $0x38;
	[tilespmem:$0x1E400] =	vst v63  }
0x19: {  	_ =	swait.ge [sflag:s14], $0x1400  }
0x1a: {  	[sflag:s14] =	ssyncset.done $0x0  }
0x1b: {  	[sflag:s14] =	ssyncadd.s32 $0xFFFFEC00  }
0x1c: {  	[tilespmem:s15], [sflag:$0x3] =	stream.linear.gather [hbm4b:s10+s4], $0x1400, $0x38;
	[tilespmem:$0x1E400] =	vst v63  }
0x1d: {  	_ =	swait.ge [sflag:s14], $0x1400  }
0x1e: {  	[sflag:s14] =	ssyncset.done $0x0  }
0x1f: {  	[sflag:s14] =	ssyncadd.s32 $0xFFFFEC00  }
0x20: {  	[tilespmem:s17], [sflag:$0x1] =	stream.indirect.gather [hbm4b:s1+s16], $0x80, s4, s16, $0xb8;
	[tilespmem:$0x1E400] =	vst v63  }
0x21: {  	_ = 	snop  }
0x22: {  	[tilespmem:s19], [sflag:$0x2] =	stream.indirect.gather [hbm4b:s1+s16], $0x80, s18, s16, $0xb8;
	[tilespmem:$0x1E400] =	vst v63  }
0x23: {  	_ =	swait.ge [sflag:s20], $0x3E80  }
0x24: {  	[sflag:s20] =	ssyncset.done $0x0  }
0x25: {  	s25 =	simm.s32 $0x1400;
	[sflag:s20] =	ssyncadd.s32 $0xFFFFC180  }
0x26: {  	[spmem:s3] =	stream.indirect.scatter.add.f32 [tilespmem:s17], [sflag:$0x3], $0x80, s25, s16, $0xb8;
	[tilespmem:$0x1E400] =	vst v63  }
0x27: {  	_ =	swait.ge [sflag:s14], $0x3E80  }
0x28: {  	[sflag:s14] =	ssyncset.done $0x0  }
0x29: {  	s30 =	simm.s32 $0x100;
	[sflag:s14] =	ssyncadd.s32 $0xFFFFC180  }
0x2a: {  	[tilespmem:s17], [sflag:$0x1] =	stream.indirect.gather [hbm4b:s1+s16], $0x80, s30, s16, $0xb8;
	[tilespmem:$0x1E400] =	vst v63  }
0x2b: {  	_ =	swait.ge [sflag:s21], $0x3E80  }
0x2c: {  	[sflag:s21] =	ssyncset.done $0x0  }
0x2d: {  	s31 =	simm.s32 $0x1480;
	[sflag:s21] =	ssyncadd.s32 $0xFFFFC180  }
0x2e: {  	[spmem:s3] =	stream.indirect.scatter.add.f32 [tilespmem:s19], [sflag:$0x3], $0x80, s31, s16, $0xb8;
	[tilespmem:$0x1E400] =	vst v63  }
0x2f: {  	_ =	swait.ge [sflag:s14], $0x3E80  }
0x30: {  	[sflag:s14] =	ssyncset.done $0x0  }
0x31: {  	s26 =	simm.s32 $0x180;
	s25 =	simm.s32 $0x400;
	[sflag:s14] =	ssyncadd.s32 $0xFFFFC180  }
.LBB2_2:
0x32: {  	[tilespmem:s19], [sflag:$0x2] =	stream.indirect.gather [hbm4b:s1+s16], $0x80, s26, s16, $0xb8;
	[tilespmem:$0x1E400] =	vst v63  }
0x33: {  	s26 =	smov.u32 s25  }
0x34: {  	p0 =	sne.s32 s25, $0x4800;
	s25 =	sadd.s32 $0x400, s25;
	_ =	swait.ge [sflag:s20], $0x3E80  }
0x35: {  	s26 =	sshra.s32 s26, $0x2;
	[sflag:s20] =	ssyncset.done $0x0  }
0x36: {  	s28 =	sadd.s32 $0x1400, s26;
	[sflag:s20] =	ssyncadd.s32 $0xFFFFC180  }
0x37: {  	[spmem:s3] =	stream.indirect.scatter.add.f32 [tilespmem:s17], [sflag:$0x3], $0x80, s28, s16, $0xb8;
	[tilespmem:$0x1E400] =	vst v63  }
0x38: {  	_ =	swait.ge [sflag:s14], $0x3E80  }
0x39: {  	[sflag:s14] =	ssyncset.done $0x0  }
0x3a: {  	s28 =	sadd.s32 $0x100, s26;
	[sflag:s14] =	ssyncadd.s32 $0xFFFFC180  }
0x3b: {  	[tilespmem:s17], [sflag:$0x1] =	stream.indirect.gather [hbm4b:s1+s16], $0x80, s28, s16, $0xb8;
	[tilespmem:$0x1E400] =	vst v63  }
0x3c: {  	_ =	swait.ge [sflag:s21], $0x3E80  }
0x3d: {  	[sflag:s21] =	ssyncset.done $0x0  }
.Ltmp0:
0x3e: {  	s28 =	sadd.s32 $0x1480, s26;
	[sflag:s21] =	ssyncadd.s32 $0xFFFFC180;
	(pc) =	sbr.rel @p0 .LBB2_2-.Ltmp0, $4  }
0x3f: {  	[spmem:s3] =	stream.indirect.scatter.add.f32 [tilespmem:s19], [sflag:$0x3], $0x80, s28, s16, $0xb8;
	[tilespmem:$0x1E400] =	vst v63  }
0x40: {  	_ =	swait.ge [sflag:s14], $0x3E80  }
0x41: {  	[sflag:s14] =	ssyncset.done $0x0  }
0x42: {  	s26 =	sadd.s32 $0x180, s26;
	[sflag:s14] =	ssyncadd.s32 $0xFFFFC180  }
0x43: {  	[tilespmem:s19], [sflag:$0x2] =	stream.indirect.gather [hbm4b:s1+s16], $0x80, s26, s16, $0xb8;
	[tilespmem:$0x1E400] =	vst v63  }
0x44: {  	_ =	swait.ge [sflag:s20], $0x3E80  }
0x45: {  	[sflag:s20] =	ssyncset.done $0x0  }
0x46: {  	[sflag:s20] =	ssyncadd.s32 $0xFFFFC180  }
0x47: {  	[spmem:s3] =	stream.indirect.scatter.add.f32 [tilespmem:s17], [sflag:$0x3], $0x80, s22, s16, $0xb8;
	[tilespmem:$0x1E400] =	vst v63  }
0x48: {  	_ =	swait.ge [sflag:s14], $0x3E80  }
0x49: {  	[sflag:s14] =	ssyncset.done $0x0  }
0x4a: {  	[sflag:s14] =	ssyncadd.s32 $0xFFFFC180  }
0x4b: {  	_ =	swait.ge [sflag:s21], $0x3E80  }
0x4c: {  	[sflag:s21] =	ssyncset.done $0x0  }
0x4d: {  	[sflag:s21] =	ssyncadd.s32 $0xFFFFC180  }
0x4e: {  	[spmem:s3] =	stream.indirect.scatter.add.f32 [tilespmem:s19], [sflag:$0x3], $0x80, s23, s16, $0xb8;
	[tilespmem:$0x1E400] =	vst v63  }
0x4f: {  	_ =	swait.ge [sflag:s14], $0x3E80  }
0x50: {  	[sflag:s14] =	ssyncset.done $0x0  }
0x51: {  	s25 =	simm.s32 $0x0;
	[sflag:s14] =	ssyncadd.s32 $0xFFFFC180  }
0x52: {  	[tilespmem:s25], [sflag:$0x3] =	stream.linear.gather [hbm4b:s11+s25], $0x1400, $0x38;
	[tilespmem:$0x1E400] =	vst v63  }
0x53: {  	_ =	swait.ge [sflag:s14], $0x1400  }
0x54: {  	[sflag:s14] =	ssyncset.done $0x0  }
0x55: {  	[sflag:s14] =	ssyncadd.s32 $0xFFFFEC00  }
0x56: {  	[tilespmem:s15], [sflag:$0x3] =	stream.linear.gather [hbm4b:s12+s25], $0x1400, $0x38;
	[tilespmem:$0x1E400] =	vst v63  }
0x57: {  	_ =	swait.ge [sflag:s14], $0x1400  }
0x58: {  	[sflag:s14] =	ssyncset.done $0x0  }
0x59: {  	[sflag:s14] =	ssyncadd.s32 $0xFFFFEC00  }
0x5a: {  	[tilespmem:s17], [sflag:$0x1] =	stream.indirect.gather [hbm4b:s1+s16], $0x80, s25, s16, $0xb8;
	[tilespmem:$0x1E400] =	vst v63  }
0x5b: {  	_ = 	snop  }
0x5c: {  	[tilespmem:s19], [sflag:$0x2] =	stream.indirect.gather [hbm4b:s1+s16], $0x80, s18, s16, $0xb8;
	[tilespmem:$0x1E400] =	vst v63  }
0x5d: {  	_ =	swait.ge [sflag:s20], $0x3E80  }
0x5e: {  	[sflag:s20] =	ssyncset.done $0x0  }
0x5f: {  	s29 =	simm.s32 $0x1400;
	[sflag:s20] =	ssyncadd.s32 $0xFFFFC180  }
0x60: {  	[spmem:s3] =	stream.indirect.scatter.add.f32 [tilespmem:s17], [sflag:$0x3], $0x80, s29, s16, $0xb8;
	[tilespmem:$0x1E400] =	vst v63  }
0x61: {  	_ =	swait.ge [sflag:s14], $0x3E80  }
0x62: {  	[sflag:s14] =	ssyncset.done $0x0  }
0x63: {  	s30 =	simm.s32 $0x100;
	[sflag:s14] =	ssyncadd.s32 $0xFFFFC180  }
0x64: {  	[tilespmem:s17], [sflag:$0x1] =	stream.indirect.gather [hbm4b:s1+s16], $0x80, s30, s16, $0xb8;
	[tilespmem:$0x1E400] =	vst v63  }
0x65: {  	_ =	swait.ge [sflag:s21], $0x3E80  }
0x66: {  	[sflag:s21] =	ssyncset.done $0x0  }
0x67: {  	s31 =	simm.s32 $0x1480;
	[sflag:s21] =	ssyncadd.s32 $0xFFFFC180  }
0x68: {  	[spmem:s3] =	stream.indirect.scatter.add.f32 [tilespmem:s19], [sflag:$0x3], $0x80, s31, s16, $0xb8;
	[tilespmem:$0x1E400] =	vst v63  }
0x69: {  	_ =	swait.ge [sflag:s14], $0x3E80  }
0x6a: {  	[sflag:s14] =	ssyncset.done $0x0  }
0x6b: {  	s26 =	simm.s32 $0x180;
	s25 =	simm.s32 $0x400;
	[sflag:s14] =	ssyncadd.s32 $0xFFFFC180  }
.LBB2_4:
0x6c: {  	[tilespmem:s19], [sflag:$0x2] =	stream.indirect.gather [hbm4b:s1+s16], $0x80, s26, s16, $0xb8;
	[tilespmem:$0x1E400] =	vst v63  }
0x6d: {  	s26 =	smov.u32 s25  }
0x6e: {  	p0 =	sne.s32 s25, $0x4800;
	s25 =	sadd.s32 $0x400, s25;
	_ =	swait.ge [sflag:s20], $0x3E80  }
0x6f: {  	s26 =	sshra.s32 s26, $0x2;
	[sflag:s20] =	ssyncset.done $0x0  }
0x70: {  	s28 =	sadd.s32 $0x1400, s26;
	[sflag:s20] =	ssyncadd.s32 $0xFFFFC180  }
0x71: {  	[spmem:s3] =	stream.indirect.scatter.add.f32 [tilespmem:s17], [sflag:$0x3], $0x80, s28, s16, $0xb8;
	[tilespmem:$0x1E400] =	vst v63  }
0x72: {  	_ =	swait.ge [sflag:s14], $0x3E80  }
0x73: {  	[sflag:s14] =	ssyncset.done $0x0  }
0x74: {  	s28 =	sadd.s32 $0x100, s26;
	[sflag:s14] =	ssyncadd.s32 $0xFFFFC180  }
0x75: {  	[tilespmem:s17], [sflag:$0x1] =	stream.indirect.gather [hbm4b:s1+s16], $0x80, s28, s16, $0xb8;
	[tilespmem:$0x1E400] =	vst v63  }
0x76: {  	_ =	swait.ge [sflag:s21], $0x3E80  }
0x77: {  	[sflag:s21] =	ssyncset.done $0x0  }
.Ltmp1:
0x78: {  	s28 =	sadd.s32 $0x1480, s26;
	[sflag:s21] =	ssyncadd.s32 $0xFFFFC180;
	(pc) =	sbr.rel @p0 .LBB2_4-.Ltmp1, $4  }
0x79: {  	[spmem:s3] =	stream.indirect.scatter.add.f32 [tilespmem:s19], [sflag:$0x3], $0x80, s28, s16, $0xb8;
	[tilespmem:$0x1E400] =	vst v63  }
0x7a: {  	_ =	swait.ge [sflag:s14], $0x3E80  }
0x7b: {  	[sflag:s14] =	ssyncset.done $0x0  }
0x7c: {  	s26 =	sadd.s32 $0x180, s26;
	[sflag:s14] =	ssyncadd.s32 $0xFFFFC180  }
0x7d: {  	[tilespmem:s19], [sflag:$0x2] =	stream.indirect.gather [hbm4b:s1+s16], $0x80, s26, s16, $0xb8;
	[tilespmem:$0x1E400] =	vst v63  }
0x7e: {  	_ =	swait.ge [sflag:s20], $0x3E80  }
0x7f: {  	[sflag:s20] =	ssyncset.done $0x0  }
0x80: {  	[sflag:s20] =	ssyncadd.s32 $0xFFFFC180  }
0x81: {  	[spmem:s3] =	stream.indirect.scatter.add.f32 [tilespmem:s17], [sflag:$0x3], $0x80, s22, s16, $0xb8;
	[tilespmem:$0x1E400] =	vst v63  }
0x82: {  	_ =	swait.ge [sflag:s14], $0x3E80  }
0x83: {  	[sflag:s14] =	ssyncset.done $0x0  }
0x84: {  	[sflag:s14] =	ssyncadd.s32 $0xFFFFC180  }
0x85: {  	_ =	swait.ge [sflag:s21], $0x3E80  }
0x86: {  	[sflag:s21] =	ssyncset.done $0x0  }
0x87: {  	[sflag:s21] =	ssyncadd.s32 $0xFFFFC180  }
0x88: {  	[spmem:s3] =	stream.indirect.scatter.add.f32 [tilespmem:s19], [sflag:$0x3], $0x80, s23, s16, $0xb8;
	[tilespmem:$0x1E400] =	vst v63  }
0x89: {  	_ =	swait.ge [sflag:s14], $0x3E80  }
0x8a: {  	s24 =	sadd.s32 $0x1, s24;
	[sflag:s14] =	ssyncset.done $0x0  }
0x8b: {  	p0 =	sne.s32 s24, s8;
	[sflag:s14] =	ssyncadd.s32 $0xFFFFC180  }
.Ltmp2:
0x8c: {  	[bflag:$0x0] =	sbarrier.arrive $0xFFFF;
	(pc) =	sbr.rel @p0 .LBB2_1-.Ltmp2, $4  }
0x8d: {  	[hbm:s7], [sflag:s6] =	dma.local [spmem:s13], $0x2780  }
0x8e: {  	_ =	swait.ge [sflag:s14], $0x2780  }
0x8f: {  	[sflag:s14] =	ssyncset.done $0x0  }
0x90: {  	[sflag:s14] =	ssyncadd.s32 $0xFFFFD880  }
0x91: {  	_ =	sfence.sel $0x180000  }
0x92: {  	[bflag:$0x0] =	sbarrier.arrive $0xFFFF  }
0x93: {  	p0 =	sne.s32 s2, $0x0;
	_ =	strace $0x9000004A  }
0x94: {  	s0 =	sadd.s32 @!p0 $0x100000, s0;
	[bflag:$0x2] =	sbarrier.arrive $0xFFFF  }
0x95: {  	[sflag:s0] =	ssyncadd.tile.s32 @!p0 $0x1;
	_ =	shalt  }
.Lfunc_end2:
_tile_overlayer_lowered:
.L_overlay_start_2:
0x96: {  	(tag) =	ssettag $0x2  }
0x97: {  	s0 =	rddreg [dreg:$0x0];
	s2 =	stileid.u32  }
0x98: {  	s1 =	rddreg [dreg:$0x1];
	p0 =	sne.s32 s2, $0x0  }
0x99: {  	s3 =	rddreg [dreg:$0x2];
	[bflag:$0x3] =	sbarrier.arrive $0xFFFF;
	s2 =	simm.s32 @!p0 $0x1C03  }
0x9a: {  	[timem:s3], [sflag:s2] =	dma.local @!p0 [hbm:s0], s1  }
0x9b: {  	s0 =	simm.s32 @!p0 $0x3  }
0x9c: {  	_ =	swait.ge @!p0 [sflag:s0], s1  }
0x9d: {  	s1 =	ssub.s32 @!p0 $0x0, s1;
	[sflag:s0] =	ssyncset.done @!p0 $0x0  }
0x9e: {  	[sflag:s0] =	ssyncadd.s32 @!p0 s1  }
0x9f: {  	[bflag:$0x3] =	sbarrier.arrive $0xFFFF  }
0xa0: {  	_ =	shalt  }

// kernel: kernel.15.cloned.1.call-start
scs
__scs_entry_jumppad:
0x0: {  	(pc) =	sbr.rel $0x88, $3  }
0x1: {  	(tag) =	ssettag $0x0;
	lr =	simm.s32 $0x1  }
0x2: {  	[smem:$0x3F99] =	sst lr;
	_ =	strace $0xD0000000  }
0x3: {  	_ = 	snop  }
0x4: {  	_ = 	snop  }
0x5: {  	_ = 	snop  }
0x6: {  	_ = 	snop  }
0x7: {  	_ = 	snop  }
__scs_overlays_trampoline_lowered:
0x8: {  	[smem:$0x3FA8] =	sst s0  }
0x9: {  	[smem:$0x3FA9] =	sst s1  }
0xa: {  	[smem:$0x3FAA] =	sst s2  }
0xb: {  	[smem:$0x3FAB] =	sst s3  }
0xc: {  	[smem:$0x3FAC] =	sst s4  }
0xd: {  	[smem:$0x3FAD] =	sst s5  }
0xe: {  	[smem:$0x3FAE] =	sst s6  }
0xf: {  	[smem:$0x3FAF] =	sst s7  }
0x10: {  	[smem:$0x3FB0] =	sst s8  }
0x11: {  	[smem:$0x3FB1] =	sst s9;
	s0 =	simm.s32 @!p0 $0x0  }
0x12: {  	s1 =	sld [smem:$0x3F97];
	s0 =	simm.s32 @p0 $0x1  }
0x13: {  	[smem:$0x3FB2] =	sst s0;
	s0 =	simm.s32 @!p1 $0x0  }
0x14: {  	s2 =	sld [smem:$0x3F96];
	s0 =	simm.s32 @p1 $0x1  }
0x15: {  	[smem:$0x3FB3] =	sst s0;
	s0 =	simm.s32 @!p2 $0x0  }
0x16: {  	s3 =	sld [smem:$0x3FDB];
	s0 =	simm.s32 @p2 $0x1  }
0x17: {  	s4 =	simm.s32 $0x1BF5;
	[smem:$0x3FB5] =	sst s0  }
0x18: {  	s0 =	sld [smem:$0x3F98];
	_ =	swait.ge [sflag:s4], $0x0  }
0x19: {  	s7 =	sld [smem:$0x3F99]  }
0x1a: {  	s8 =	sadd.s32 $0xFFFFE003, lr  }
0x1b: {  	s9 =	sadd.s32 $0xFFFFFEF7, lr;
	s5 =	simm.s32 $0xFFFFFFFF;
	p2 =	slt.u32 s8, $0xFFFFF086  }
0x1c: {  	p1 =	slt.u32 s9, $0xF7A;
	s5 =	simm.s32 @!p2 $0x0  }
0x1d: {  	s5 =	simm.s32 @p1 $0x1;
	p0 =	seq.s32 s7, s2  }
0x1e: {  	s7 =	smul.u32 @!p0 $0xF7A, s2;
	p2 =	seq.s32 @!p0 s5, $0x0  }
0x1f: {  	s9 =	smul.u32 $0xF7A, s1;
	s8 =	simm.s32 @!p0 $0x1BF5;
	p2 =	por !p2, p0  }
0x20: {  	[sflag:s8] =	ssyncset.s32 @!p0 $0xFFFFF086;
	s6 =	sadd.s32 @!p0 s3, s7;
	s7 =	simm.s32 @!p0 $0x108  }
0x21: {  	s3 =	sadd.s32 s3, s9;
	s6 =	sadd.s32 @!p0 $0x88, s6;
	s7 =	simm.s32 @p2 $0x1082  }
0x22: {  	[simem:s7], [sflag:s8] =	dma.local @!p0 [hbm:s6], $0xF7A  }
0x23: {  	s9 =	sor.u32 $0xD0000000, s2;
	s6 =	simm.s32 $0x108;
	_ =	swait.ge @!p0 [sflag:s8], $0x0  }
0x24: {  	s3 =	sadd.s32 $0x88, s3;
	s6 =	simm.s32 @!p1 $0x1082;
	[sflag:s4] =	ssyncset.s32 $0xFFFFF086  }
0x25: {  	[simem:s6], [sflag:s4] =	dma.local [hbm:s3], $0xF7A  }
0x26: {  	[smem:$0x3F99] =	sst s1;
	(tag) =	ssettag s2;
	_ =	strace s9  }
0x27: {  	s1 =	sld [smem:$0x3FA9]  }
0x28: {  	s2 =	sld [smem:$0x3FAA]  }
0x29: {  	s4 =	sld [smem:$0x3FAC]  }
0x2a: {  	p0 =	seq.s32 s5, $0x0;
	s5 =	sld [smem:$0x3FAD]  }
0x2b: {  	s6 =	sld [smem:$0x3FAE]  }
0x2c: {  	s7 =	sld [smem:$0x3FAF]  }
0x2d: {  	s3 =	simm.s32 $0x108;
	s8 =	sld [smem:$0x3FB0]  }
0x2e: {  	s3 =	simm.s32 @!p0 $0x1082;
	s9 =	sld [smem:$0x3FB1]  }
0x2f: {  	lr =	sadd.s32 s0, s3;
	s0 =	sld [smem:$0x3FA8]  }
0x30: {  	s3 =	sld [smem:$0x3FAB]  }
0x31: {  	[smem:$0x3FB4] =	sst s10  }
0x32: {  	s10 =	sld [smem:$0x3FB2];
	_ =	sdelay $0x3  }
0x33: {  	p0 =	seq.s32 s10, $0x1;
	s10 =	sld [smem:$0x3FB4];
	_ =	sdelay $0x3  }
0x34: {  	[smem:$0x3FB4] =	sst s10  }
0x35: {  	s10 =	sld [smem:$0x3FB3];
	_ =	sdelay $0x3  }
0x36: {  	p1 =	seq.s32 s10, $0x1;
	s10 =	sld [smem:$0x3FB4];
	_ =	sdelay $0x3  }
0x37: {  	[smem:$0x3FB4] =	sst s10  }
0x38: {  	s10 =	sld [smem:$0x3FB5]  }
0x39: {  	_ = 	snop;
	(pc) =	sbr.ind lr, $3  }
0x3a: {  	_ = 	snop  }
0x3b: {  	_ = 	snop  }
0x3c: {  	p2 =	seq.s32 s10, $0x1;
	s10 =	sld [smem:$0x3FB4]  }
0x3d: {  	_ =	shalt  }
0x3e: {  	_ =	shalt  }
0x3f: {  	_ =	shalt  }
0x40: {  	_ =	shalt  }
0x41: {  	_ =	shalt  }
0x42: {  	_ =	shalt  }
0x43: {  	_ =	shalt  }
0x44: {  	_ =	shalt  }
0x45: {  	_ =	shalt  }
0x46: {  	_ =	shalt  }
0x47: {  	_ =	shalt  }
0x48: {  	_ =	shalt  }
0x49: {  	_ =	shalt  }
0x4a: {  	_ =	shalt  }
0x4b: {  	_ =	shalt  }
0x4c: {  	_ =	shalt  }
0x4d: {  	_ =	shalt  }
0x4e: {  	_ =	shalt  }
0x4f: {  	_ =	shalt  }
0x50: {  	_ =	shalt  }
0x51: {  	_ =	shalt  }
0x52: {  	_ =	shalt  }
0x53: {  	_ =	shalt  }
0x54: {  	_ =	shalt  }
0x55: {  	_ =	shalt  }
0x56: {  	_ =	shalt  }
0x57: {  	_ =	shalt  }
0x58: {  	_ =	shalt  }
0x59: {  	_ =	shalt  }
0x5a: {  	_ =	shalt  }
0x5b: {  	_ =	shalt  }
0x5c: {  	_ =	shalt  }
0x5d: {  	_ =	shalt  }
0x5e: {  	_ =	shalt  }
0x5f: {  	_ =	shalt  }
0x60: {  	_ =	shalt  }
0x61: {  	_ =	shalt  }
0x62: {  	_ =	shalt  }
0x63: {  	_ =	shalt  }
0x64: {  	_ =	shalt  }
0x65: {  	_ =	shalt  }
0x66: {  	_ =	shalt  }
0x67: {  	_ =	shalt  }
0x68: {  	_ =	shalt  }
0x69: {  	_ =	shalt  }
0x6a: {  	_ =	shalt  }
0x6b: {  	_ =	shalt  }
0x6c: {  	_ =	shalt  }
0x6d: {  	_ =	shalt  }
0x6e: {  	_ =	shalt  }
0x6f: {  	_ =	shalt  }
0x70: {  	_ =	shalt  }
0x71: {  	_ =	shalt  }
0x72: {  	_ =	shalt  }
0x73: {  	_ =	shalt  }
0x74: {  	_ =	shalt  }
0x75: {  	_ =	shalt  }
0x76: {  	_ =	shalt  }
0x77: {  	_ =	shalt  }
0x78: {  	_ =	shalt  }
0x79: {  	_ =	shalt  }
0x7a: {  	_ =	shalt  }
0x7b: {  	_ =	shalt  }
0x7c: {  	_ =	shalt  }
0x7d: {  	_ =	shalt  }
0x7e: {  	_ =	shalt  }
0x7f: {  	_ =	shalt  }
0x80: {  	_ =	shalt  }
0x81: {  	_ =	shalt  }
0x82: {  	_ =	shalt  }
0x83: {  	_ =	shalt  }
0x84: {  	_ =	shalt  }
0x85: {  	_ =	shalt  }
0x86: {  	_ =	shalt  }
0x87: {  	_ =	shalt  }
.Lfunc_end0:
.L_simem_size_0:
called_computation.2_lowered:
.L_overlay_start_0:
0x88: {  	s2 =	sld [smem:$0x3FD9]  }
0x89: {  	s3 =	sld [smem:$0x3FFE];
	_ =	sdelay $0x1  }
0x8a: {  	s1 =	srdreg.scid  }
0x8b: {  	s0 =	sand.u32 $0x1, s1  }
0x8c: {  	s14 =	sshll.u32 s0, $0xA;
	s2 =	sadd.s32 s3, s2  }
0x8d: {  	s2 =	sadd.s32 s2, s14  }
0x8e: {  	[smem:$0x3FC0] =	sst s2  }
0x8f: {  	_ = 	snop  }
0x90: {  	s2 =	sld [smem:$0x3FD0];
	_ =	sdelay $0x2  }
0x91: {  	s15 =	simm.s32 $0xA;
	s4 =	simm.s32 $0x10  }
0x92: {  	[smem:s4], [sflag:s15] =	dma.local [hbm:s2], $0x1  }
0x93: {  	_ =	swait.eq [sflag:s15], $0x1  }
0x94: {  	[sflag:s15] =	ssyncset.done $0x0  }
0x95: {  	[sflag:s15] =	ssyncadd.s32 $0xFFFFFFFF  }
0x96: {  	s16 =	sld [smem:$0x10];
	(tm) =	ssettm $0x1  }
0x97: {  	s17 =	sld [smem:$0x3FFB];
	_ =	sdelay $0x3  }
0x98: {  	_ =	strace s17  }
0x99: {  	s3 =	sld [smem:$0x3FFC];
	_ =	sdelay $0x3  }
0x9a: {  	_ =	strace s3  }
0x9b: {  	s3 =	sld [smem:$0x3FFD];
	_ =	sdelay $0x3  }
0x9c: {  	_ =	strace s3  }
0x9d: {  	_ =	strace $0x8FFFFFFF  }
0x9e: {  	s18 =	sld [smem:$0x3FDB];
	_ =	sdelay $0x1  }
0x9f: {  	s19 =	simm.s32 $_scs_section_size  }
0xa0: {  	s5 =	simm.s32 $_size__tile_overlayer_lowered;
	s6 =	simm.s32 $_tile_overlayer_lowered  }
0xa1: {  	s22 =	simm.s32 $0x1BFF;
	s21 =	sshll.u32 s6, $0x1;
	s3 =	sadd.s32 s19, s18  }
0xa2: {  	s7 =	simm.s32 $0x0;
	s20 =	sshll.u32 s5, $0x1;
	s5 =	sadd.s32 s21, s3  }
0xa3: {  	[timem:s7], [sflag:s22] =	dma.local [hbm:s5], s20  }
0xa4: {  	_ =	swait.ge [sflag:s22], s20  }
0xa5: {  	s4 =	ssub.s32 $0x0, s20;
	[sflag:s22] =	ssyncset.done $0x0  }
0xa6: {  	[sflag:s22] =	ssyncadd.s32 s4;
	_ =	sdelay $0x1  }
0xa7: {  	s23 =	simm.s32 $0x1B8B  }
0xa8: {  	_ =	swait.ge [sflag:s23], $0x1  }
0xa9: {  	[sflag:s23] =	ssyncset.done $0x0  }
0xaa: {  	s25 =	simm.s32 $0x1B8E;
	s24 =	sld [smem:$0x3FFE];
	[sflag:s23] =	ssyncadd.s32 $0xFFFFFFFF  }
0xab: {  	s26 =	simm.s32 $execute0_lowered;
	[smem:$0x3FD2] =	sst s25  }
0xac: {  	s5 =	sshll.u32 s26, $0x1;
	_ =	strace $0x8000004C;
	[dreg:$0x1] =	wrdreg $0xFFFFFFFF  }
0xad: {  	s28 =	simm.s32 $_size_execute0_lowered;
	s3 =	sadd.s32 s3, s5;
	[dreg:$0x0] =	wrdreg $0x0  }
0xae: {  	s5 =	sshll.u32 s28, $0x1;
	[dreg:$0x2] =	wrdreg s3  }
0xaf: {  	[dreg:$0x3] =	wrdreg s5  }
0xb0: {  	[dreg:$0x4] =	wrdreg $0xC0  }
0xb1: {  	_ =	task [dreg:s7], $0x5FFFF  }
0xb2: {  	[dreg:$0x1] =	wrdreg $0xFFFFFFFF  }
0xb3: {  	[dreg:$0x0] =	wrdreg $0x60  }
0xb4: {  	[dreg:$0x2] =	wrdreg s16  }
0xb5: {  	[dreg:$0x3] =	wrdreg s24  }
0xb6: {  	[dreg:$0x4] =	wrdreg $0xA8000  }
0xb7: {  	[dreg:$0x5] =	wrdreg $0x9  }
0xb8: {  	_ =	task.clear_ibuf [dreg:s7], $0x6FFFF;
	_ =	strace $0x9000004C  }
0xb9: {  	s29 =	simm.s32 $0x9;
	_ =	strace $0x8000004E  }
0xba: {  	_ =	swait.ge [sflag:s29], $0x1  }
0xbb: {  	[sflag:s29] =	ssyncadd.s32 $0xFFFFFFFF  }
0xbc: {  	_ =	strace $0x9000004E  }
0xbd: {  	_ =	sfence  }
0xbe: {  	s30 =	sld [smem:$0x0];
	_ =	sdelay $0x2  }
0xbf: {  	s31 =	sshll.u32 s1, $0xD;
	s1 =	sshrl.u32 s1, $0x2  }
0xc0: {  	s3 =	sand.u32 $0x4000, s31;
	s1 =	sadd.s32 s1, s30  }
0xc1: {  	s0 =	sor.u32 s3, s0;
	s1 =	sshll.u32 s1, $0x11  }
0xc2: {  	s0 =	sor.u32 s1, s0  }
0xc3: {  	s0 =	sadd.s32 $0x8F2B, s0  }
0xc4: {  	[sflag:s0] =	ssyncadd.remote.s32 $0x1  }
0xc5: {  	_ =	sfence.sel $0xFFFF  }
0xc6: {  	[dreg:$0x0] =	wrdreg $0xFFFFFFFF;
	(pc) =	sbr.abs _section_cstart, $3  }
0xc7: {  	[dreg:$0x1] =	wrdreg $0xFFFFFFFF  }
0xc8: {  	_ =	task.clear_ibuf [dreg:s7], $0x2FFFF;
	_ =	strace $0x9FFFFFFF  }
0xc9: {  	(tm) =	ssettm $0x7FFFFFFF  }
tec
execute0_lowered:
.L_overlay_start_1:
0x0: {  	(tag) =	ssettag $0x1  }
0x1: {  	s1 =	rddreg [dreg:$0x0]  }
0x2: {  	s5 =	rddreg [dreg:$0x1]  }
0x3: {  	s3 =	rddreg [dreg:$0x2]  }
0x4: {  	s0 =	rddreg [dreg:$0x3];
	s4 =	simm.s32 $0x0;
	s2 =	stileid.u32  }
0x5: {  	s6 =	srdreg.scid;
	s15 =	simm.s32 $0x1400;
	s16 =	simm.s32 $0x7D  }
0x6: {  	s17 =	simm.s32 $0x2800;
	s18 =	simm.s32 $0x80;
	s19 =	simm.s32 $0x6800  }
0x7: {  	s20 =	simm.s32 $0x1;
	s21 =	simm.s32 $0x2;
	s22 =	simm.s32 $0x2700  }
0x8: {  	s23 =	simm.s32 $0x2780;
	s24 =	simm.s32 $0x0;
	[smem:$0x7FF] =	sst s4  }
0x9: {  	s7 =	smul.u32 $0x2780, s2;
	s6 =	sand.u32 $0x1, s6;
	s11 =	sadd.s32 $0x16A00, s5  }
0xa: {  	s12 =	sadd.s32 $0xCA00, s5;
	s10 =	smul.u32 $0x4F000, s2;
	s30 =	sshll.u32 s2, $0x6  }
0xb: {  	_ =	strace $0x8000004D;
	s8 =	smul.u32 $0x27800, s6;
	s25 =	ssub.s32 $0x2, s6  }
0xc: {  	s6 =	sshll.u32 s6, $0x4;
	s9 =	sadd.s32 s7, s5;
	s26 =	sshrl.u32 s25, $0x1  }
0xd: {  	s28 =	sor.u32 s2, s6;
	s29 =	sshrl.u32 s10, $0x2;
	s6 =	sor.u32 $0x1C03, s30  }
0xe: {  	s7 =	sadd.s32 s7, s8;
	s8 =	ssub.s32 s25, s26;
	s13 =	sadd.s32 s29, s3  }
0xf: {  	s31 =	smul.u32 $0x500, s28;
	s7 =	sadd.s32 s7, s5;
	s5 =	sadd.s32 $0x6EE00, s9  }
0x10: {  	s8 =	smax.u32 s8, $0x1;
	s13 =	sshrl.u32 s13, $0x3;
	s7 =	sadd.s32 $0x96600, s7  }
0x11: {  	s9 =	sadd.s32 s11, s31;
	s14 =	sadd.s32 $0x280, s31;
	s10 =	sadd.s32 s12, s31  }
0x12: {  	s11 =	sadd.s32 s11, s14;
	s12 =	sadd.s32 s12, s14;
	s14 =	simm.s32 $0x3  }
.LBB2_1:
0x13: {  	[spmem:s13], [sflag:s6] =	dma.local [hbm:s5], $0x2780  }
0x14: {  	_ =	swait.ge [sflag:s14], $0x2780  }
0x15: {  	[sflag:s14] =	ssyncset.done $0x0  }
0x16: {  	[sflag:s14] =	ssyncadd.s32 $0xFFFFD880  }
0x17: {  	[bflag:$0x0] =	sbarrier.arrive $0xFFFF  }
0x18: {  	[tilespmem:s4], [sflag:$0x3] =	stream.linear.gather [hbm4b:s9+s4], $0x1400, $0x38;
	[tilespmem:$0x1E400] =	vst v63  }
0x19: {  	_ =	swait.ge [sflag:s14], $0x1400  }
0x1a: {  	[sflag:s14] =	ssyncset.done $0x0  }
0x1b: {  	[sflag:s14] =	ssyncadd.s32 $0xFFFFEC00  }
0x1c: {  	[tilespmem:s15], [sflag:$0x3] =	stream.linear.gather [hbm4b:s10+s4], $0x1400, $0x38;
	[tilespmem:$0x1E400] =	vst v63  }
0x1d: {  	_ =	swait.ge [sflag:s14], $0x1400  }
0x1e: {  	[sflag:s14] =	ssyncset.done $0x0  }
0x1f: {  	[sflag:s14] =	ssyncadd.s32 $0xFFFFEC00  }
0x20: {  	[tilespmem:s17], [sflag:$0x1] =	stream.indirect.gather [hbm4b:s1+s16], $0x80, s4, s16, $0xb8;
	[tilespmem:$0x1E400] =	vst v63  }
0x21: {  	_ = 	snop  }
0x22: {  	[tilespmem:s19], [sflag:$0x2] =	stream.indirect.gather [hbm4b:s1+s16], $0x80, s18, s16, $0xb8;
	[tilespmem:$0x1E400] =	vst v63  }
0x23: {  	_ =	swait.ge [sflag:s20], $0x3E80  }
0x24: {  	[sflag:s20] =	ssyncset.done $0x0  }
0x25: {  	s25 =	simm.s32 $0x1400;
	[sflag:s20] =	ssyncadd.s32 $0xFFFFC180  }
0x26: {  	[spmem:s3] =	stream.indirect.scatter.add.f32 [tilespmem:s17], [sflag:$0x3], $0x80, s25, s16, $0xb8;
	[tilespmem:$0x1E400] =	vst v63  }
0x27: {  	_ =	swait.ge [sflag:s14], $0x3E80  }
0x28: {  	[sflag:s14] =	ssyncset.done $0x0  }
0x29: {  	s30 =	simm.s32 $0x100;
	[sflag:s14] =	ssyncadd.s32 $0xFFFFC180  }
0x2a: {  	[tilespmem:s17], [sflag:$0x1] =	stream.indirect.gather [hbm4b:s1+s16], $0x80, s30, s16, $0xb8;
	[tilespmem:$0x1E400] =	vst v63  }
0x2b: {  	_ =	swait.ge [sflag:s21], $0x3E80  }
0x2c: {  	[sflag:s21] =	ssyncset.done $0x0  }
0x2d: {  	s31 =	simm.s32 $0x1480;
	[sflag:s21] =	ssyncadd.s32 $0xFFFFC180  }
0x2e: {  	[spmem:s3] =	stream.indirect.scatter.add.f32 [tilespmem:s19], [sflag:$0x3], $0x80, s31, s16, $0xb8;
	[tilespmem:$0x1E400] =	vst v63  }
0x2f: {  	_ =	swait.ge [sflag:s14], $0x3E80  }
0x30: {  	[sflag:s14] =	ssyncset.done $0x0  }
0x31: {  	s26 =	simm.s32 $0x180;
	s25 =	simm.s32 $0x400;
	[sflag:s14] =	ssyncadd.s32 $0xFFFFC180  }
.LBB2_2:
0x32: {  	[tilespmem:s19], [sflag:$0x2] =	stream.indirect.gather [hbm4b:s1+s16], $0x80, s26, s16, $0xb8;
	[tilespmem:$0x1E400] =	vst v63  }
0x33: {  	s26 =	smov.u32 s25  }
0x34: {  	p0 =	sne.s32 s25, $0x4800;
	s25 =	sadd.s32 $0x400, s25;
	_ =	swait.ge [sflag:s20], $0x3E80  }
0x35: {  	s26 =	sshra.s32 s26, $0x2;
	[sflag:s20] =	ssyncset.done $0x0  }
0x36: {  	s28 =	sadd.s32 $0x1400, s26;
	[sflag:s20] =	ssyncadd.s32 $0xFFFFC180  }
0x37: {  	[spmem:s3] =	stream.indirect.scatter.add.f32 [tilespmem:s17], [sflag:$0x3], $0x80, s28, s16, $0xb8;
	[tilespmem:$0x1E400] =	vst v63  }
0x38: {  	_ =	swait.ge [sflag:s14], $0x3E80  }
0x39: {  	[sflag:s14] =	ssyncset.done $0x0  }
0x3a: {  	s28 =	sadd.s32 $0x100, s26;
	[sflag:s14] =	ssyncadd.s32 $0xFFFFC180  }
0x3b: {  	[tilespmem:s17], [sflag:$0x1] =	stream.indirect.gather [hbm4b:s1+s16], $0x80, s28, s16, $0xb8;
	[tilespmem:$0x1E400] =	vst v63  }
0x3c: {  	_ =	swait.ge [sflag:s21], $0x3E80  }
0x3d: {  	[sflag:s21] =	ssyncset.done $0x0  }
.Ltmp0:
0x3e: {  	s28 =	sadd.s32 $0x1480, s26;
	[sflag:s21] =	ssyncadd.s32 $0xFFFFC180;
	(pc) =	sbr.rel @p0 .LBB2_2-.Ltmp0, $4  }
0x3f: {  	[spmem:s3] =	stream.indirect.scatter.add.f32 [tilespmem:s19], [sflag:$0x3], $0x80, s28, s16, $0xb8;
	[tilespmem:$0x1E400] =	vst v63  }
0x40: {  	_ =	swait.ge [sflag:s14], $0x3E80  }
0x41: {  	[sflag:s14] =	ssyncset.done $0x0  }
0x42: {  	s26 =	sadd.s32 $0x180, s26;
	[sflag:s14] =	ssyncadd.s32 $0xFFFFC180  }
0x43: {  	[tilespmem:s19], [sflag:$0x2] =	stream.indirect.gather [hbm4b:s1+s16], $0x80, s26, s16, $0xb8;
	[tilespmem:$0x1E400] =	vst v63  }
0x44: {  	_ =	swait.ge [sflag:s20], $0x3E80  }
0x45: {  	[sflag:s20] =	ssyncset.done $0x0  }
0x46: {  	[sflag:s20] =	ssyncadd.s32 $0xFFFFC180  }
0x47: {  	[spmem:s3] =	stream.indirect.scatter.add.f32 [tilespmem:s17], [sflag:$0x3], $0x80, s22, s16, $0xb8;
	[tilespmem:$0x1E400] =	vst v63  }
0x48: {  	_ =	swait.ge [sflag:s14], $0x3E80  }
0x49: {  	[sflag:s14] =	ssyncset.done $0x0  }
0x4a: {  	[sflag:s14] =	ssyncadd.s32 $0xFFFFC180  }
0x4b: {  	_ =	swait.ge [sflag:s21], $0x3E80  }
0x4c: {  	[sflag:s21] =	ssyncset.done $0x0  }
0x4d: {  	[sflag:s21] =	ssyncadd.s32 $0xFFFFC180  }
0x4e: {  	[spmem:s3] =	stream.indirect.scatter.add.f32 [tilespmem:s19], [sflag:$0x3], $0x80, s23, s16, $0xb8;
	[tilespmem:$0x1E400] =	vst v63  }
0x4f: {  	_ =	swait.ge [sflag:s14], $0x3E80  }
0x50: {  	[sflag:s14] =	ssyncset.done $0x0  }
0x51: {  	s25 =	simm.s32 $0x0;
	[sflag:s14] =	ssyncadd.s32 $0xFFFFC180  }
0x52: {  	[tilespmem:s25], [sflag:$0x3] =	stream.linear.gather [hbm4b:s11+s25], $0x1400, $0x38;
	[tilespmem:$0x1E400] =	vst v63  }
0x53: {  	_ =	swait.ge [sflag:s14], $0x1400  }
0x54: {  	[sflag:s14] =	ssyncset.done $0x0  }
0x55: {  	[sflag:s14] =	ssyncadd.s32 $0xFFFFEC00  }
0x56: {  	[tilespmem:s15], [sflag:$0x3] =	stream.linear.gather [hbm4b:s12+s25], $0x1400, $0x38;
	[tilespmem:$0x1E400] =	vst v63  }
0x57: {  	_ =	swait.ge [sflag:s14], $0x1400  }
0x58: {  	[sflag:s14] =	ssyncset.done $0x0  }
0x59: {  	[sflag:s14] =	ssyncadd.s32 $0xFFFFEC00  }
0x5a: {  	[tilespmem:s17], [sflag:$0x1] =	stream.indirect.gather [hbm4b:s1+s16], $0x80, s25, s16, $0xb8;
	[tilespmem:$0x1E400] =	vst v63  }
0x5b: {  	_ = 	snop  }
0x5c: {  	[tilespmem:s19], [sflag:$0x2] =	stream.indirect.gather [hbm4b:s1+s16], $0x80, s18, s16, $0xb8;
	[tilespmem:$0x1E400] =	vst v63  }
0x5d: {  	_ =	swait.ge [sflag:s20], $0x3E80  }
0x5e: {  	[sflag:s20] =	ssyncset.done $0x0  }
0x5f: {  	s29 =	simm.s32 $0x1400;
	[sflag:s20] =	ssyncadd.s32 $0xFFFFC180  }
0x60: {  	[spmem:s3] =	stream.indirect.scatter.add.f32 [tilespmem:s17], [sflag:$0x3], $0x80, s29, s16, $0xb8;
	[tilespmem:$0x1E400] =	vst v63  }
0x61: {  	_ =	swait.ge [sflag:s14], $0x3E80  }
0x62: {  	[sflag:s14] =	ssyncset.done $0x0  }
0x63: {  	s30 =	simm.s32 $0x100;
	[sflag:s14] =	ssyncadd.s32 $0xFFFFC180  }
0x64: {  	[tilespmem:s17], [sflag:$0x1] =	stream.indirect.gather [hbm4b:s1+s16], $0x80, s30, s16, $0xb8;
	[tilespmem:$0x1E400] =	vst v63  }
0x65: {  	_ =	swait.ge [sflag:s21], $0x3E80  }
0x66: {  	[sflag:s21] =	ssyncset.done $0x0  }
0x67: {  	s31 =	simm.s32 $0x1480;
	[sflag:s21] =	ssyncadd.s32 $0xFFFFC180  }
0x68: {  	[spmem:s3] =	stream.indirect.scatter.add.f32 [tilespmem:s19], [sflag:$0x3], $0x80, s31, s16, $0xb8;
	[tilespmem:$0x1E400] =	vst v63  }
0x69: {  	_ =	swait.ge [sflag:s14], $0x3E80  }
0x6a: {  	[sflag:s14] =	ssyncset.done $0x0  }
0x6b: {  	s26 =	simm.s32 $0x180;
	s25 =	simm.s32 $0x400;
	[sflag:s14] =	ssyncadd.s32 $0xFFFFC180  }
.LBB2_4:
0x6c: {  	[tilespmem:s19], [sflag:$0x2] =	stream.indirect.gather [hbm4b:s1+s16], $0x80, s26, s16, $0xb8;
	[tilespmem:$0x1E400] =	vst v63  }
0x6d: {  	s26 =	smov.u32 s25  }
0x6e: {  	p0 =	sne.s32 s25, $0x4800;
	s25 =	sadd.s32 $0x400, s25;
	_ =	swait.ge [sflag:s20], $0x3E80  }
0x6f: {  	s26 =	sshra.s32 s26, $0x2;
	[sflag:s20] =	ssyncset.done $0x0  }
0x70: {  	s28 =	sadd.s32 $0x1400, s26;
	[sflag:s20] =	ssyncadd.s32 $0xFFFFC180  }
0x71: {  	[spmem:s3] =	stream.indirect.scatter.add.f32 [tilespmem:s17], [sflag:$0x3], $0x80, s28, s16, $0xb8;
	[tilespmem:$0x1E400] =	vst v63  }
0x72: {  	_ =	swait.ge [sflag:s14], $0x3E80  }
0x73: {  	[sflag:s14] =	ssyncset.done $0x0  }
0x74: {  	s28 =	sadd.s32 $0x100, s26;
	[sflag:s14] =	ssyncadd.s32 $0xFFFFC180  }
0x75: {  	[tilespmem:s17], [sflag:$0x1] =	stream.indirect.gather [hbm4b:s1+s16], $0x80, s28, s16, $0xb8;
	[tilespmem:$0x1E400] =	vst v63  }
0x76: {  	_ =	swait.ge [sflag:s21], $0x3E80  }
0x77: {  	[sflag:s21] =	ssyncset.done $0x0  }
.Ltmp1:
0x78: {  	s28 =	sadd.s32 $0x1480, s26;
	[sflag:s21] =	ssyncadd.s32 $0xFFFFC180;
	(pc) =	sbr.rel @p0 .LBB2_4-.Ltmp1, $4  }
0x79: {  	[spmem:s3] =	stream.indirect.scatter.add.f32 [tilespmem:s19], [sflag:$0x3], $0x80, s28, s16, $0xb8;
	[tilespmem:$0x1E400] =	vst v63  }
0x7a: {  	_ =	swait.ge [sflag:s14], $0x3E80  }
0x7b: {  	[sflag:s14] =	ssyncset.done $0x0  }
0x7c: {  	s26 =	sadd.s32 $0x180, s26;
	[sflag:s14] =	ssyncadd.s32 $0xFFFFC180  }
0x7d: {  	[tilespmem:s19], [sflag:$0x2] =	stream.indirect.gather [hbm4b:s1+s16], $0x80, s26, s16, $0xb8;
	[tilespmem:$0x1E400] =	vst v63  }
0x7e: {  	_ =	swait.ge [sflag:s20], $0x3E80  }
0x7f: {  	[sflag:s20] =	ssyncset.done $0x0  }
0x80: {  	[sflag:s20] =	ssyncadd.s32 $0xFFFFC180  }
0x81: {  	[spmem:s3] =	stream.indirect.scatter.add.f32 [tilespmem:s17], [sflag:$0x3], $0x80, s22, s16, $0xb8;
	[tilespmem:$0x1E400] =	vst v63  }
0x82: {  	_ =	swait.ge [sflag:s14], $0x3E80  }
0x83: {  	[sflag:s14] =	ssyncset.done $0x0  }
0x84: {  	[sflag:s14] =	ssyncadd.s32 $0xFFFFC180  }
0x85: {  	_ =	swait.ge [sflag:s21], $0x3E80  }
0x86: {  	[sflag:s21] =	ssyncset.done $0x0  }
0x87: {  	[sflag:s21] =	ssyncadd.s32 $0xFFFFC180  }
0x88: {  	[spmem:s3] =	stream.indirect.scatter.add.f32 [tilespmem:s19], [sflag:$0x3], $0x80, s23, s16, $0xb8;
	[tilespmem:$0x1E400] =	vst v63  }
0x89: {  	_ =	swait.ge [sflag:s14], $0x3E80  }
0x8a: {  	s24 =	sadd.s32 $0x1, s24;
	[sflag:s14] =	ssyncset.done $0x0  }
0x8b: {  	p0 =	sne.s32 s24, s8;
	[sflag:s14] =	ssyncadd.s32 $0xFFFFC180  }
.Ltmp2:
0x8c: {  	[bflag:$0x0] =	sbarrier.arrive $0xFFFF;
	(pc) =	sbr.rel @p0 .LBB2_1-.Ltmp2, $4  }
0x8d: {  	[hbm:s7], [sflag:s6] =	dma.local [spmem:s13], $0x2780  }
0x8e: {  	_ =	swait.ge [sflag:s14], $0x2780  }
0x8f: {  	[sflag:s14] =	ssyncset.done $0x0  }
0x90: {  	[sflag:s14] =	ssyncadd.s32 $0xFFFFD880  }
0x91: {  	_ =	sfence.sel $0x180000  }
0x92: {  	[bflag:$0x0] =	sbarrier.arrive $0xFFFF  }
0x93: {  	p0 =	sne.s32 s2, $0x0;
	_ =	strace $0x9000004D  }
0x94: {  	s0 =	sadd.s32 @!p0 $0x100000, s0;
	[bflag:$0x2] =	sbarrier.arrive $0xFFFF  }
0x95: {  	[sflag:s0] =	ssyncadd.tile.s32 @!p0 $0x1;
	_ =	shalt  }
.Lfunc_end2:
_tile_overlayer_lowered:
.L_overlay_start_2:
0x96: {  	(tag) =	ssettag $0x2  }
0x97: {  	s0 =	rddreg [dreg:$0x0];
	s2 =	stileid.u32  }
0x98: {  	s1 =	rddreg [dreg:$0x1];
	p0 =	sne.s32 s2, $0x0  }
0x99: {  	s3 =	rddreg [dreg:$0x2];
	[bflag:$0x3] =	sbarrier.arrive $0xFFFF;
	s2 =	simm.s32 @!p0 $0x1C03  }
0x9a: {  	[timem:s3], [sflag:s2] =	dma.local @!p0 [hbm:s0], s1  }
0x9b: {  	s0 =	simm.s32 @!p0 $0x3  }
0x9c: {  	_ =	swait.ge @!p0 [sflag:s0], s1  }
0x9d: {  	s1 =	ssub.s32 @!p0 $0x0, s1;
	[sflag:s0] =	ssyncset.done @!p0 $0x0  }
0x9e: {  	[sflag:s0] =	ssyncadd.s32 @!p0 s1  }
0x9f: {  	[bflag:$0x3] =	sbarrier.arrive $0xFFFF  }
0xa0: {  	_ =	shalt  }

// kernel: kernel.9.cloned.1.call-start
scs
__scs_entry_jumppad:
0x0: {  	(pc) =	sbr.rel $0x88, $3  }
0x1: {  	(tag) =	ssettag $0x0;
	lr =	simm.s32 $0x1  }
0x2: {  	[smem:$0x3F99] =	sst lr;
	_ =	strace $0xD0000000  }
0x3: {  	_ = 	snop  }
0x4: {  	_ = 	snop  }
0x5: {  	_ = 	snop  }
0x6: {  	_ = 	snop  }
0x7: {  	_ = 	snop  }
__scs_overlays_trampoline_lowered:
0x8: {  	[smem:$0x3FA8] =	sst s0  }
0x9: {  	[smem:$0x3FA9] =	sst s1  }
0xa: {  	[smem:$0x3FAA] =	sst s2  }
0xb: {  	[smem:$0x3FAB] =	sst s3  }
0xc: {  	[smem:$0x3FAC] =	sst s4  }
0xd: {  	[smem:$0x3FAD] =	sst s5  }
0xe: {  	[smem:$0x3FAE] =	sst s6  }
0xf: {  	[smem:$0x3FAF] =	sst s7  }
0x10: {  	[smem:$0x3FB0] =	sst s8  }
0x11: {  	[smem:$0x3FB1] =	sst s9;
	s0 =	simm.s32 @!p0 $0x0  }
0x12: {  	s1 =	sld [smem:$0x3F97];
	s0 =	simm.s32 @p0 $0x1  }
0x13: {  	[smem:$0x3FB2] =	sst s0;
	s0 =	simm.s32 @!p1 $0x0  }
0x14: {  	s2 =	sld [smem:$0x3F96];
	s0 =	simm.s32 @p1 $0x1  }
0x15: {  	[smem:$0x3FB3] =	sst s0;
	s0 =	simm.s32 @!p2 $0x0  }
0x16: {  	s3 =	sld [smem:$0x3FDB];
	s0 =	simm.s32 @p2 $0x1  }
0x17: {  	s4 =	simm.s32 $0x1BF5;
	[smem:$0x3FB5] =	sst s0  }
0x18: {  	s0 =	sld [smem:$0x3F98];
	_ =	swait.ge [sflag:s4], $0x0  }
0x19: {  	s7 =	sld [smem:$0x3F99]  }
0x1a: {  	s8 =	sadd.s32 $0xFFFFE003, lr  }
0x1b: {  	s9 =	sadd.s32 $0xFFFFFEF7, lr;
	s5 =	simm.s32 $0xFFFFFFFF;
	p2 =	slt.u32 s8, $0xFFFFF086  }
0x1c: {  	p1 =	slt.u32 s9, $0xF7A;
	s5 =	simm.s32 @!p2 $0x0  }
0x1d: {  	s5 =	simm.s32 @p1 $0x1;
	p0 =	seq.s32 s7, s2  }
0x1e: {  	s7 =	smul.u32 @!p0 $0xF7A, s2;
	p2 =	seq.s32 @!p0 s5, $0x0  }
0x1f: {  	s9 =	smul.u32 $0xF7A, s1;
	s8 =	simm.s32 @!p0 $0x1BF5;
	p2 =	por !p2, p0  }
0x20: {  	[sflag:s8] =	ssyncset.s32 @!p0 $0xFFFFF086;
	s6 =	sadd.s32 @!p0 s3, s7;
	s7 =	simm.s32 @!p0 $0x108  }
0x21: {  	s3 =	sadd.s32 s3, s9;
	s6 =	sadd.s32 @!p0 $0x88, s6;
	s7 =	simm.s32 @p2 $0x1082  }
0x22: {  	[simem:s7], [sflag:s8] =	dma.local @!p0 [hbm:s6], $0xF7A  }
0x23: {  	s9 =	sor.u32 $0xD0000000, s2;
	s6 =	simm.s32 $0x108;
	_ =	swait.ge @!p0 [sflag:s8], $0x0  }
0x24: {  	s3 =	sadd.s32 $0x88, s3;
	s6 =	simm.s32 @!p1 $0x1082;
	[sflag:s4] =	ssyncset.s32 $0xFFFFF086  }
0x25: {  	[simem:s6], [sflag:s4] =	dma.local [hbm:s3], $0xF7A  }
0x26: {  	[smem:$0x3F99] =	sst s1;
	(tag) =	ssettag s2;
	_ =	strace s9  }
0x27: {  	s1 =	sld [smem:$0x3FA9]  }
0x28: {  	s2 =	sld [smem:$0x3FAA]  }
0x29: {  	s4 =	sld [smem:$0x3FAC]  }
0x2a: {  	p0 =	seq.s32 s5, $0x0;
	s5 =	sld [smem:$0x3FAD]  }
0x2b: {  	s6 =	sld [smem:$0x3FAE]  }
0x2c: {  	s7 =	sld [smem:$0x3FAF]  }
0x2d: {  	s3 =	simm.s32 $0x108;
	s8 =	sld [smem:$0x3FB0]  }
0x2e: {  	s3 =	simm.s32 @!p0 $0x1082;
	s9 =	sld [smem:$0x3FB1]  }
0x2f: {  	lr =	sadd.s32 s0, s3;
	s0 =	sld [smem:$0x3FA8]  }
0x30: {  	s3 =	sld [smem:$0x3FAB]  }
0x31: {  	[smem:$0x3FB4] =	sst s10  }
0x32: {  	s10 =	sld [smem:$0x3FB2];
	_ =	sdelay $0x3  }
0x33: {  	p0 =	seq.s32 s10, $0x1;
	s10 =	sld [smem:$0x3FB4];
	_ =	sdelay $0x3  }
0x34: {  	[smem:$0x3FB4] =	sst s10  }
0x35: {  	s10 =	sld [smem:$0x3FB3];
	_ =	sdelay $0x3  }
0x36: {  	p1 =	seq.s32 s10, $0x1;
	s10 =	sld [smem:$0x3FB4];
	_ =	sdelay $0x3  }
0x37: {  	[smem:$0x3FB4] =	sst s10  }
0x38: {  	s10 =	sld [smem:$0x3FB5]  }
0x39: {  	_ = 	snop;
	(pc) =	sbr.ind lr, $3  }
0x3a: {  	_ = 	snop  }
0x3b: {  	_ = 	snop  }
0x3c: {  	p2 =	seq.s32 s10, $0x1;
	s10 =	sld [smem:$0x3FB4]  }
0x3d: {  	_ =	shalt  }
0x3e: {  	_ =	shalt  }
0x3f: {  	_ =	shalt  }
0x40: {  	_ =	shalt  }
0x41: {  	_ =	shalt  }
0x42: {  	_ =	shalt  }
0x43: {  	_ =	shalt  }
0x44: {  	_ =	shalt  }
0x45: {  	_ =	shalt  }
0x46: {  	_ =	shalt  }
0x47: {  	_ =	shalt  }
0x48: {  	_ =	shalt  }
0x49: {  	_ =	shalt  }
0x4a: {  	_ =	shalt  }
0x4b: {  	_ =	shalt  }
0x4c: {  	_ =	shalt  }
0x4d: {  	_ =	shalt  }
0x4e: {  	_ =	shalt  }
0x4f: {  	_ =	shalt  }
0x50: {  	_ =	shalt  }
0x51: {  	_ =	shalt  }
0x52: {  	_ =	shalt  }
0x53: {  	_ =	shalt  }
0x54: {  	_ =	shalt  }
0x55: {  	_ =	shalt  }
0x56: {  	_ =	shalt  }
0x57: {  	_ =	shalt  }
0x58: {  	_ =	shalt  }
0x59: {  	_ =	shalt  }
0x5a: {  	_ =	shalt  }
0x5b: {  	_ =	shalt  }
0x5c: {  	_ =	shalt  }
0x5d: {  	_ =	shalt  }
0x5e: {  	_ =	shalt  }
0x5f: {  	_ =	shalt  }
0x60: {  	_ =	shalt  }
0x61: {  	_ =	shalt  }
0x62: {  	_ =	shalt  }
0x63: {  	_ =	shalt  }
0x64: {  	_ =	shalt  }
0x65: {  	_ =	shalt  }
0x66: {  	_ =	shalt  }
0x67: {  	_ =	shalt  }
0x68: {  	_ =	shalt  }
0x69: {  	_ =	shalt  }
0x6a: {  	_ =	shalt  }
0x6b: {  	_ =	shalt  }
0x6c: {  	_ =	shalt  }
0x6d: {  	_ =	shalt  }
0x6e: {  	_ =	shalt  }
0x6f: {  	_ =	shalt  }
0x70: {  	_ =	shalt  }
0x71: {  	_ =	shalt  }
0x72: {  	_ =	shalt  }
0x73: {  	_ =	shalt  }
0x74: {  	_ =	shalt  }
0x75: {  	_ =	shalt  }
0x76: {  	_ =	shalt  }
0x77: {  	_ =	shalt  }
0x78: {  	_ =	shalt  }
0x79: {  	_ =	shalt  }
0x7a: {  	_ =	shalt  }
0x7b: {  	_ =	shalt  }
0x7c: {  	_ =	shalt  }
0x7d: {  	_ =	shalt  }
0x7e: {  	_ =	shalt  }
0x7f: {  	_ =	shalt  }
0x80: {  	_ =	shalt  }
0x81: {  	_ =	shalt  }
0x82: {  	_ =	shalt  }
0x83: {  	_ =	shalt  }
0x84: {  	_ =	shalt  }
0x85: {  	_ =	shalt  }
0x86: {  	_ =	shalt  }
0x87: {  	_ =	shalt  }
.Lfunc_end0:
.L_simem_size_0:
called_computation_lowered:
.L_overlay_start_0:
0x88: {  	s2 =	sld [smem:$0x3FD9]  }
0x89: {  	s3 =	sld [smem:$0x3FFE];
	_ =	sdelay $0x1  }
0x8a: {  	s1 =	srdreg.scid  }
0x8b: {  	s0 =	sand.u32 $0x1, s1  }
0x8c: {  	s14 =	sshll.u32 s0, $0xA;
	s2 =	sadd.s32 s3, s2  }
0x8d: {  	s2 =	sadd.s32 s2, s14  }
0x8e: {  	[smem:$0x3FC0] =	sst s2  }
0x8f: {  	_ = 	snop  }
0x90: {  	s2 =	sld [smem:$0x3FD0];
	_ =	sdelay $0x2  }
0x91: {  	s15 =	simm.s32 $0xA;
	s4 =	simm.s32 $0x10  }
0x92: {  	[smem:s4], [sflag:s15] =	dma.local [hbm:s2], $0x1  }
0x93: {  	_ =	swait.eq [sflag:s15], $0x1  }
0x94: {  	[sflag:s15] =	ssyncset.done $0x0  }
0x95: {  	s16 =	sld [smem:$0x10];
	[sflag:s15] =	ssyncadd.s32 $0xFFFFFFFF  }
0x96: {  	s17 =	sld [smem:$0x11];
	(tm) =	ssettm $0x1  }
0x97: {  	s18 =	sld [smem:$0x3FFB];
	_ =	sdelay $0x3  }
0x98: {  	_ =	strace s18  }
0x99: {  	s4 =	sld [smem:$0x3FFC];
	_ =	sdelay $0x3  }
0x9a: {  	_ =	strace s4  }
0x9b: {  	s4 =	sld [smem:$0x3FFD];
	_ =	sdelay $0x3  }
0x9c: {  	_ =	strace s4  }
0x9d: {  	_ =	strace $0x8FFFFFFF  }
0x9e: {  	s19 =	sld [smem:$0x3FDB];
	_ =	sdelay $0x1  }
0x9f: {  	s5 =	simm.s32 $_scs_section_size  }
0xa0: {  	s6 =	simm.s32 $_size__tile_overlayer_lowered;
	s7 =	simm.s32 $_tile_overlayer_lowered  }
0xa1: {  	s22 =	simm.s32 $0x1BFF;
	s21 =	sshll.u32 s7, $0x1;
	s4 =	sadd.s32 s5, s19  }
0xa2: {  	s8 =	simm.s32 $0x0;
	s20 =	sshll.u32 s6, $0x1;
	s6 =	sadd.s32 s21, s4  }
0xa3: {  	[timem:s8], [sflag:s22] =	dma.local [hbm:s6], s20  }
0xa4: {  	_ =	swait.ge [sflag:s22], s20  }
0xa5: {  	s5 =	ssub.s32 $0x0, s20;
	[sflag:s22] =	ssyncset.done $0x0  }
0xa6: {  	[sflag:s22] =	ssyncadd.s32 s5;
	_ =	sdelay $0x1  }
0xa7: {  	s23 =	simm.s32 $0x1B8B  }
0xa8: {  	_ =	swait.ge [sflag:s23], $0x1  }
0xa9: {  	[sflag:s23] =	ssyncset.done $0x0  }
0xaa: {  	s25 =	simm.s32 $0x1B8E;
	s24 =	sld [smem:$0x3FFE];
	[sflag:s23] =	ssyncadd.s32 $0xFFFFFFFF  }
0xab: {  	s26 =	simm.s32 $execute0_lowered;
	[smem:$0x3FD2] =	sst s25  }
0xac: {  	s6 =	sshll.u32 s26, $0x1;
	_ =	strace $0x80000046;
	[dreg:$0x1] =	wrdreg $0xFFFFFFFF  }
0xad: {  	s28 =	simm.s32 $_size_execute0_lowered;
	s4 =	sadd.s32 s4, s6;
	[dreg:$0x0] =	wrdreg $0x0  }
0xae: {  	s6 =	sshll.u32 s28, $0x1;
	[dreg:$0x2] =	wrdreg s4  }
0xaf: {  	[dreg:$0x3] =	wrdreg s6  }
0xb0: {  	[dreg:$0x4] =	wrdreg $0xC0  }
0xb1: {  	_ =	task [dreg:s8], $0x5FFFF  }
0xb2: {  	[dreg:$0x1] =	wrdreg $0xFFFFFFFF  }
0xb3: {  	[dreg:$0x0] =	wrdreg $0x60  }
0xb4: {  	[dreg:$0x2] =	wrdreg s17  }
0xb5: {  	[dreg:$0x3] =	wrdreg s16  }
0xb6: {  	[dreg:$0x4] =	wrdreg s24  }
0xb7: {  	[dreg:$0x5] =	wrdreg $0x9  }
0xb8: {  	_ =	task.clear_ibuf [dreg:s8], $0x6FFFF;
	_ =	strace $0x90000046  }
0xb9: {  	s29 =	simm.s32 $0x9;
	_ =	strace $0x80000048  }
0xba: {  	_ =	swait.ge [sflag:s29], $0x1  }
0xbb: {  	[sflag:s29] =	ssyncadd.s32 $0xFFFFFFFF  }
0xbc: {  	_ =	strace $0x90000048  }
0xbd: {  	_ =	sfence  }
0xbe: {  	s30 =	sld [smem:$0x0];
	_ =	sdelay $0x2  }
0xbf: {  	s31 =	sshll.u32 s1, $0xD;
	s1 =	sshrl.u32 s1, $0x2  }
0xc0: {  	s3 =	sand.u32 $0x4000, s31;
	s1 =	sadd.s32 s1, s30  }
0xc1: {  	s0 =	sor.u32 s3, s0;
	s1 =	sshll.u32 s1, $0x11  }
0xc2: {  	s0 =	sor.u32 s1, s0  }
0xc3: {  	s0 =	sadd.s32 $0x8F2B, s0  }
0xc4: {  	[sflag:s0] =	ssyncadd.remote.s32 $0x1  }
0xc5: {  	_ =	sfence.sel $0xFFFF  }
0xc6: {  	[dreg:$0x0] =	wrdreg $0xFFFFFFFF;
	(pc) =	sbr.abs _section_cstart, $3  }
0xc7: {  	[dreg:$0x1] =	wrdreg $0xFFFFFFFF  }
0xc8: {  	_ =	task.clear_ibuf [dreg:s8], $0x2FFFF;
	_ =	strace $0x9FFFFFFF  }
0xc9: {  	(tm) =	ssettm $0x7FFFFFFF  }
tec
execute0_lowered:
.L_overlay_start_1:
0x0: {  	(tag) =	ssettag $0x1  }
0x1: {  	s0 =	srdreg.scid  }
0x2: {  	s3 =	sand.u32 $0x1, s0  }
0x3: {  	s4 =	rddreg [dreg:$0x0];
	s0 =	stileid.u32;
	s1 =	sshll.u32 s3, $0x4  }
0x4: {  	s5 =	rddreg [dreg:$0x1];
	s1 =	sor.u32 s0, s1  }
0x5: {  	s6 =	rddreg [dreg:$0x2];
	s9 =	simm.s32 $0x2800;
	s1 =	sshrl.u32 s1, $0x3  }
0x6: {  	s10 =	simm.s32 $0x1;
	s2 =	sshll.u32 s0, $0x7;
	s7 =	smul.u32 $0x14000, s1  }
0x7: {  	s11 =	simm.s32 $0x0;
	s8 =	sand.u32 $0x380, s2;
	s2 =	simm.s32 $0x0  }
0x8: {  	s3 =	ssub.s32 $0x2, s3;
	[smem:$0x7FF] =	sst s2;
	s7 =	sor.u32 s8, s7  }
0x9: {  	s31 =	sshrl.u32 s3, $0x1;
	s1 =	rddreg [dreg:$0x3];
	s7 =	sshrl.u32 s7, $0x3  }
0xa: {  	_ =	strace $0x80000047;
	s8 =	ssub.s32 s3, s31;
	s6 =	sadd.s32 s7, s6  }
0xb: {  	s3 =	sadd.s32 s5, s7;
	s4 =	sadd.s32 s4, s7;
	s7 =	simm.s32 $0x80  }
0xc: {  	s5 =	sadd.s32 $0x2A00, s6;
	s6 =	smax.u32 s8, $0x1;
	s8 =	simm.s32 $0x400  }
.LBB2_1:
0xd: {  	[tilespmem:s9], [sflag:$0x1] =	stream.strided.gather [hbm4b:s3+s7], $0x2800, s8, s7, $0x38;
	[tilespmem:$0x5000] =	vst v63  }
0xe: {  	_ =	swait.ge [sflag:s10], $0x2800  }
0xf: {  	[sflag:s10] =	ssyncset.done $0x0  }
0x10: {  	[sflag:s10] =	ssyncadd.s32 $0xFFFFD800  }
0x11: {  	[tilespmem:s2], [sflag:$0x1] =	stream.strided.gather [hbm4b:s4+s7], $0x2800, s8, s7, $0x38;
	[tilespmem:$0x5000] =	vst v63  }
0x12: {  	_ =	swait.ge [sflag:s10], $0x2800  }
0x13: {  	[sflag:s10] =	ssyncset.done $0x0  }
0x14: {  	s13 =	simm.s32 $0x0;
	s12 =	simm.s32 $0x40;
	[sflag:s10] =	ssyncadd.s32 $0xFFFFD800  }
.LBB2_2:
0x15: {  	p0 =	sne.s32 s12, $0x9FC0;
	v0 =	vld [tilespmem:s13+$0x0];
	_ =	sdelay $0x4  }
0x16: {  	(xrf1) =	vunique.msk.u32 $0xffff, v0;
	_ =	sdelay $0xd  }
0x17: {  	_, v1, vm0 =	vpop (xrf1);
	_ =	sdelay $0x1  }
.Ltmp0:
0x18: {  	(pc) =	sbr.rel @p0 .LBB2_2-.Ltmp0, $3  }
0x19: {  	_ = 	snop  }
0x1a: {  	v1 =	vcvt.s32.f32 v1;
	_ =	sdelay $0x1  }
0x1b: {  	s13 =	sshra.s32 s12, $0x2;
	s12 =	sadd.s32 $0x40, s12;
	[tilespmem:v0+s9+$0x0] =	vst.idx.add.f32.msk vm0, v1  }
0x1c: {  	v0 =	vld [tilespmem:s13+$0x0];
	_ =	sdelay $0x4  }
0x1d: {  	(xrf1) =	vunique.msk.u32 $0xffff, v0;
	_ =	sdelay $0xd  }
0x1e: {  	_, v1, vm0 =	vpop (xrf1);
	_ =	sdelay $0x3  }
0x1f: {  	s11 =	sadd.s32 $0x1, s11;
	v1 =	vcvt.s32.f32 v1  }
0x20: {  	p0 =	sne.s32 s11, s6  }
.Ltmp1:
0x21: {  	[tilespmem:v0+s9+$0x0] =	vst.idx.add.f32.msk vm0, v1;
	(pc) =	sbr.rel @p0 .LBB2_1-.Ltmp1, $4  }
0x22: {  	[hbm4b:s5+s7] =	stream.strided.scatter [tilespmem:s9], [sflag:$0x1], $0x2800, s8, s7, $0x38;
	[tilespmem:$0x5000] =	vst v63  }
0x23: {  	_ =	swait.ge [sflag:s10], $0x2800  }
0x24: {  	[sflag:s10] =	ssyncset.done $0x0  }
0x25: {  	[sflag:s10] =	ssyncadd.s32 $0xFFFFD800  }
0x26: {  	_ =	sfence.sel $0x180000  }
0x27: {  	[bflag:$0x0] =	sbarrier.arrive $0xFFFF  }
0x28: {  	p0 =	sne.s32 s0, $0x0;
	_ =	strace $0x90000047  }
0x29: {  	s0 =	sadd.s32 @!p0 $0x100000, s1;
	[bflag:$0x2] =	sbarrier.arrive $0xFFFF  }
0x2a: {  	[sflag:s0] =	ssyncadd.tile.s32 @!p0 $0x1;
	_ =	shalt  }
.Lfunc_end2:
_tile_overlayer_lowered:
.L_overlay_start_2:
0x2b: {  	(tag) =	ssettag $0x2  }
0x2c: {  	s0 =	rddreg [dreg:$0x0];
	s2 =	stileid.u32  }
0x2d: {  	s1 =	rddreg [dreg:$0x1];
	p0 =	sne.s32 s2, $0x0  }
0x2e: {  	s3 =	rddreg [dreg:$0x2];
	[bflag:$0x3] =	sbarrier.arrive $0xFFFF;
	s2 =	simm.s32 @!p0 $0x1C01  }
0x2f: {  	[timem:s3], [sflag:s2] =	dma.local @!p0 [hbm:s0], s1  }
0x30: {  	s0 =	simm.s32 @!p0 $0x1  }
0x31: {  	_ =	swait.ge @!p0 [sflag:s0], s1  }
0x32: {  	s1 =	ssub.s32 @!p0 $0x0, s1;
	[sflag:s0] =	ssyncset.done @!p0 $0x0  }
0x33: {  	[sflag:s0] =	ssyncadd.s32 @!p0 s1  }
0x34: {  	[bflag:$0x3] =	sbarrier.arrive $0xFFFF  }
0x35: {  	_ =	shalt  }

</sc_bundles>
